<compile_context>
chip_gen: v7x
topology: tpu7x:2x2x1
jax: 0.10.2.dev20260603
libtpu: 0.0.44.dev20260713+nightly
codegen_flags: <defaults>
</compile_context>

<pallas_src>
import functools
import jax, jax.numpy as jnp
from jax import lax
from jax.experimental import pallas as pl
from jax.experimental.pallas import tpu as pltpu
from jax.experimental.pallas import tpu_sc as plsc

K = 8192
DIM = 32
NPIX = 6272
KCH = 1024

NC = 2
NS = 16
NW = NC * NS
BPW = 208
NPAD = NW * BPW
KPW = K // NW


def _conv(x, w, b, s, p):
    y = jax.lax.conv_general_dilated(x, w, (s, s), [(p, p), (p, p)], dimension_numbers=('NCHW', 'OIHW', 'NCHW'))
    return y + b[None, :, None, None]


def _convt(x, w, b):
    w2 = jnp.flip(w, (2, 3)).transpose(1, 0, 2, 3)
    y = jax.lax.conv_general_dilated(x, w2, (1, 1), [(2, 2), (2, 2)], lhs_dilation=(2, 2), dimension_numbers=('NCHW', 'OIHW', 'NCHW'))
    return y + b[None, :, None, None]


def _res(x, w1, b1, w2, b2):
    t = jax.nn.relu(x)
    t = _conv(t, w1, b1, 1, 1)
    t = jax.nn.relu(t)
    t = _conv(t, w2, b2, 1, 0)
    return x + t



def _vq_body(esq_ref, emb2_ref, zb_ref, zsq_ref, idx_ref, best_ref, bidx_ref, rows_ref):
    i = pl.program_id(0)

    @pl.when(i == 0)
    def _():
        rows_ref[...] = jax.lax.broadcasted_iota(jnp.int32, rows_ref.shape, 0)

    cross2 = jax.lax.dot_general(
        emb2_ref[...], zb_ref[...], (((1,), (0,)), ((), ())),
        preferred_element_type=jnp.float32)
    a = esq_ref[...] + cross2
    d = a + zsq_ref[...]
    cmin = jnp.min(d, axis=0, keepdims=True)
    loc = jnp.min(jnp.where(d == cmin, rows_ref[...], jnp.int32(2 ** 30)), axis=0, keepdims=True)
    gidx = loc + i * KCH

    @pl.when(i == 0)
    def _():
        best_ref[...] = cmin
        bidx_ref[...] = gidx

    @pl.when(i > 0)
    def _():
        upd = cmin < best_ref[...]
        bidx_ref[...] = jnp.where(upd, gidx, bidx_ref[...])
        best_ref[...] = jnp.where(upd, cmin, best_ref[...])

    @pl.when(i == pl.num_programs(0) - 1)
    def _():
        idx_ref[...] = bidx_ref[...]


def _vq_argmin(ze, codebook):
    zb = ze.transpose(1, 0, 2, 3).reshape(DIM, NPIX).astype(jnp.bfloat16)
    zsq = jnp.sum(ze ** 2, axis=1).reshape(1, NPIX)
    esq = jnp.sum(codebook ** 2, axis=1).reshape(K, 1)
    emb2 = codebook.astype(jnp.bfloat16) * jnp.bfloat16(-2.0)
    idx = pl.pallas_call(
        _vq_body,
        grid=(K // KCH,),
        in_specs=[
            pl.BlockSpec((KCH, 1), lambda i: (i, 0)),
            pl.BlockSpec((KCH, DIM), lambda i: (i, 0)),
            pl.BlockSpec((DIM, NPIX), lambda i: (0, 0)),
            pl.BlockSpec((1, NPIX), lambda i: (0, 0)),
        ],
        out_specs=pl.BlockSpec((1, NPIX), lambda i: (0, 0)),
        out_shape=jax.ShapeDtypeStruct((1, NPIX), jnp.int32),
        scratch_shapes=[
            pltpu.VMEM((1, NPIX), jnp.float32),
            pltpu.VMEM((1, NPIX), jnp.int32),
            pltpu.VMEM((KCH, NPIX), jnp.int32),
        ],
    )(esq, emb2, zb, zsq)
    return idx.reshape(NPIX)



HW8 = 8
HROWS = 8448
SPW = HROWS // NS
GCH = BPW // 2


def _sc_gather_body(codebook_hbm, idxg_hbm, zq_hbm, idxg_v, rows_v, sem):
    c = lax.axis_index("c")
    s = lax.axis_index("s")
    wid = s * NC + c
    pltpu.sync_copy(idxg_hbm.at[wid], idxg_v)
    pltpu.async_copy(codebook_hbm.at[idxg_v.at[0]], rows_v.at[pl.ds(0, GCH)], sem).wait()
    pltpu.async_copy(codebook_hbm.at[idxg_v.at[1]], rows_v.at[pl.ds(GCH, GCH)], sem).wait()
    pltpu.sync_copy(rows_v, zq_hbm.at[pl.ds(wid * BPW, BPW)])


def _sc_usage_body(idxs_hbm, ones_hbm, zeros_hbm, upart_hbm, idxs_v, ones_v, hist_sp, sem):
    c = lax.axis_index("c")
    s = lax.axis_index("s")
    wid = s * NC + c
    pltpu.sync_copy(zeros_hbm.at[pl.ds(s * SPW, SPW)], hist_sp.at[pl.ds(s * SPW, SPW)])
    pltpu.sync_copy(idxs_hbm.at[wid], idxs_v)
    pltpu.sync_copy(ones_hbm, ones_v)
    plsc.subcore_barrier()
    pltpu.sync_copy(ones_v, hist_sp.at[idxs_v.at[0]], add=True)
    pltpu.sync_copy(ones_v, hist_sp.at[idxs_v.at[1]], add=True)
    plsc.subcore_barrier()
    pltpu.sync_copy(hist_sp.at[pl.ds(s * SPW, SPW)], upart_hbm.at[c, pl.ds(s * SPW, SPW)])


@functools.cache
def _sc_fns():
    mesh = plsc.VectorSubcoreMesh(core_axis_name="c", subcore_axis_name="s")
    cp = pltpu.CompilerParams(use_tc_tiling_on_sc=False)
    gather = functools.partial(
        pl.kernel, mesh=mesh, compiler_params=cp,
        out_type=[jax.ShapeDtypeStruct((NPAD, DIM), jnp.float32)],
        scratch_types=[
            pltpu.VMEM((2, GCH), jnp.int32),
            pltpu.VMEM((BPW, DIM), jnp.float32),
            pltpu.SemaphoreType.DMA,
        ],
    )(_sc_gather_body)
    usage = functools.partial(
        pl.kernel, mesh=mesh, compiler_params=cp,
        out_type=[jax.ShapeDtypeStruct((NC, HROWS, HW8), jnp.float32)],
        scratch_types=[
            pltpu.VMEM((2, GCH), jnp.int32),
            pltpu.VMEM((GCH, HW8), jnp.float32),
            pltpu.VMEM_SHARED((HROWS, HW8), jnp.float32),
            pltpu.SemaphoreType.DMA,
        ],
    )(_sc_usage_body)
    return gather, usage



def _rolls9(hb, wp):
    cs = []
    for dy in (-1, 0, 1):
        for dx in (-1, 0, 1):
            s = dy * wp + dx
            cs.append(jnp.roll(hb, -s, axis=0) if s else hb)
    return jnp.concatenate(cs, axis=1)


def _mask(hp, wp, h, w):
    r = jax.lax.broadcasted_iota(jnp.int32, (hp * wp, 1), 0)
    y = r // wp
    x = r % wp
    ok = (y >= 1) & (y <= h) & (x >= 1) & (x <= w)
    return ok.astype(jnp.float32)


def _pad_ring(t, h, w, c):
    zx = jnp.zeros((h, 1, c), t.dtype)
    t = jnp.concatenate([zx, t, zx], axis=1)
    zy = jnp.zeros((1, w + 2, c), t.dtype)
    t = jnp.concatenate([zy, t, zy], axis=0)
    return t.reshape((h + 2) * (w + 2), c)


def _dec_body(zq_ref, wd1_ref, bd1_ref, w3a_ref, b3a_ref, w3b_ref, b3b_ref,
              w4a_ref, b4a_ref, w4b_ref, b4b_ref, wp2_ref, b2_ref,
              out_ref):
    f32 = jnp.float32
    m58 = _mask(58, 58, 56, 56)

    def conv3(h, w_ref, b_ref, wp):
        x9 = _rolls9(h.astype(jnp.bfloat16), wp)
        y = jnp.dot(x9, w_ref[...], preferred_element_type=f32)
        return (y + b_ref[...])

    zq = zq_ref[...].reshape(3136, DIM)
    h = _pad_ring(zq.reshape(56, 56, DIM), 56, 56, DIM)
    h = conv3(h, wd1_ref, bd1_ref, 58) * m58
    for wa, ba, wb, bb in ((w3a_ref, b3a_ref, w3b_ref, b3b_ref),
                           (w4a_ref, b4a_ref, w4b_ref, b4b_ref)):
        t = jnp.maximum(h, 0.0)
        t = conv3(t, wa, ba, 58) * m58
        t = jnp.maximum(t, 0.0)
        t = jnp.dot(t.astype(jnp.bfloat16), wb[...], preferred_element_type=f32) + bb[...]
        h = h + t * m58
    x9 = _rolls9(h.astype(jnp.bfloat16), 58)
    phases = []
    for p in (0, 1):
        prow = []
        for q in (0, 1):
            ph = jnp.dot(x9, wp2_ref[...][2 * p + q], preferred_element_type=f32) + b2_ref[...]
            ph = ph.reshape(58, 58, DIM)[1:57, 1:57, :]
            prow.append(ph.reshape(56, 1, 56, 1, DIM))
        phases.append(jnp.concatenate(prow, axis=3))
    up = jnp.concatenate(phases, axis=1).reshape(112 * 112, DIM)
    up = jnp.maximum(up, 0.0)
    out_ref[...] = up[None]


def _dec_body2(up_ref, wp3_ref, b3_ref, out_ref):
    f32 = jnp.float32
    h2 = _pad_ring(up_ref[...].reshape(112, 112, DIM), 112, 112, DIM)
    x9b = _rolls9(h2.astype(jnp.bfloat16), 114)
    xall = jnp.dot(x9b, wp3_ref[...], preferred_element_type=f32) + b3_ref[...]
    out_ref[...] = xall[None]


def _tap_w(w, ky, kx):
    return w[:, :, ky, kx].transpose(1, 0)


def _phase_w(w2, p, q, cout):
    cin = w2.shape[1]
    blocks = []
    for dy in (-1, 0, 1):
        for dx in (-1, 0, 1):
            ty = 2 * dy + 2 - p
            tx = 2 * dx + 2 - q
            if 0 <= ty <= 3 and 0 <= tx <= 3:
                blocks.append(_tap_w(w2, ty, tx))
            else:
                blocks.append(jnp.zeros((cin, cout), jnp.float32))
    return jnp.concatenate(blocks, axis=0)


def _cat9(w):
    return jnp.concatenate([_tap_w(w, ky, kx) for ky in range(3) for kx in range(3)], axis=0)


def _decoder(zq_flat, dec_w1, dec_b1, r3_w1, r3_b1, r3_w2, r3_b2, r4_w1, r4_b1, r4_w2, r4_b2, dect_w2, dect_b2, dect_w3, dect_b3):
    bf = jnp.bfloat16
    wd1 = _cat9(dec_w1).astype(bf)
    w3a = _cat9(r3_w1).astype(bf)
    w3b = _tap_w(r3_w2, 0, 0).astype(bf)
    w4a = _cat9(r4_w1).astype(bf)
    w4b = _tap_w(r4_w2, 0, 0).astype(bf)
    w2f = jnp.flip(dect_w2, (2, 3)).transpose(1, 0, 2, 3)
    wp2 = jnp.stack([_phase_w(w2f, p, q, DIM) for p in (0, 1) for q in (0, 1)]).astype(bf)
    w3f = jnp.flip(dect_w3, (2, 3)).transpose(1, 0, 2, 3)
    wp3p = jnp.concatenate([jnp.pad(_phase_w(w3f, p, q, 3), ((0, 0), (0, 5))) for p in (0, 1) for q in (0, 1)], axis=1).astype(bf)
    b2d = dec_b1.reshape(1, DIM)
    b3a = r3_b1.reshape(1, DIM)
    b3b = r3_b2.reshape(1, DIM)
    b4a = r4_b1.reshape(1, DIM)
    b4b = r4_b2.reshape(1, DIM)
    bt2 = dect_b2.reshape(1, DIM)
    bt3 = jnp.tile(jnp.pad(dect_b3, (0, 5)), 4).reshape(1, 32)

    full = lambda *shape: pl.BlockSpec(shape, lambda n: (0,) * len(shape))
    up = pl.pallas_call(
        _dec_body,
        grid=(2,),
        in_specs=[
            pl.BlockSpec((1, 3136, DIM), lambda n: (n, 0, 0)),
            full(288, DIM), full(1, DIM),
            full(288, DIM), full(1, DIM), full(DIM, DIM), full(1, DIM),
            full(288, DIM), full(1, DIM), full(DIM, DIM), full(1, DIM),
            full(4, 288, DIM), full(1, DIM),
        ],
        out_specs=pl.BlockSpec((1, 112 * 112, DIM), lambda n: (n, 0, 0)),
        out_shape=jax.ShapeDtypeStruct((2, 112 * 112, DIM), jnp.float32),
    )(zq_flat.reshape(2, 3136, DIM), wd1, b2d, w3a, b3a, w3b, b3b, w4a, b4a, w4b, b4b, wp2, bt2)
    xh = pl.pallas_call(
        _dec_body2,
        grid=(2,),
        in_specs=[
            pl.BlockSpec((1, 112 * 112, DIM), lambda n: (n, 0, 0)),
            full(288, 32), full(1, 32),
        ],
        out_specs=pl.BlockSpec((1, 114 * 114, 32), lambda n: (n, 0, 0)),
        out_shape=jax.ShapeDtypeStruct((2, 114 * 114, 32), jnp.float32),
    )(up, wp3p, bt3)
    xh = xh.reshape(2, 114, 114, 2, 2, 8)[:, 1:113, 1:113, :, :, :3]
    xh = xh.transpose(0, 5, 1, 3, 2, 4).reshape(2, 3, 224, 224)
    return xh


def kernel(x, enc_w1, enc_b1, enc_w2, enc_b2, enc_w3, enc_b3, r1_w1, r1_b1, r1_w2, r1_b2, r2_w1, r2_b1, r2_w2, r2_b2, codebook, dec_w1, dec_b1, r3_w1, r3_b1, r3_w2, r3_b2, r4_w1, r4_b1, r4_w2, r4_b2, dect_w2, dect_b2, dect_w3, dect_b3):
    h = _conv(x, enc_w1, enc_b1, 2, 1)
    h = jax.nn.relu(h)
    h = _conv(h, enc_w2, enc_b2, 2, 1)
    h = jax.nn.relu(h)
    h = _conv(h, enc_w3, enc_b3, 1, 1)
    h = _res(h, r1_w1, r1_b1, r1_w2, r1_b2)
    ze = _res(h, r2_w1, r2_b1, r2_w2, r2_b2)

    idx_flat = _vq_argmin(ze, codebook)
    idxg = jnp.concatenate([idx_flat, jnp.zeros((NPAD - NPIX,), jnp.int32)]).reshape(NW, 2, GCH)
    idxs = jnp.concatenate([idx_flat, jnp.full((NPAD - NPIX,), K, jnp.int32)]).reshape(NW, 2, GCH)
    ones_in = jnp.ones((GCH, HW8), jnp.float32)
    zeros_in = jnp.zeros((HROWS, HW8), jnp.float32)

    sc_gather, sc_usage = _sc_fns()
    (zq_flat,) = sc_gather(codebook, idxg)
    (upart,) = sc_usage(idxs, ones_in, zeros_in)
    usage = (upart[0, :K, 0] + upart[1, :K, 0]) / jnp.float32(NPIX)
    zq = zq_flat[:NPIX].reshape(2, 56, 56, DIM).transpose(0, 3, 1, 2)

    h = _conv(zq, dec_w1, dec_b1, 1, 1)
    h = _res(h, r3_w1, r3_b1, r3_w2, r3_b2)
    h = _res(h, r4_w1, r4_b1, r4_w2, r4_b2)
    h = _convt(h, dect_w2, dect_b2)
    h = jax.nn.relu(h)
    x_hat = _convt(h, dect_w3, dect_b3)
    return (x_hat, ze, zq, usage)

# --- scband reference (transcript-rebuilt; emitter-appended) ---
"""Pipeline reference for scband-vqvae-22900765622692 (READ-ONLY COPY).

The authoritative reference and input builder live on the scoring server;
editing this copy changes nothing except your own understanding.
"""

import jax, jax.numpy as jnp
import numpy as np

DIM = 32
K = 8192
IN_CH = 3


def _conv(x, w, b, s, p):
    y = jax.lax.conv_general_dilated(x, w, (s, s), [(p, p), (p, p)], dimension_numbers=('NCHW', 'OIHW', 'NCHW'))
    return y + b[None, :, None, None]


def _convt(x, w, b):
    # PyTorch ConvTranspose2d(k=4, s=2, p=1); torch weight shape (Cin, Cout, 4, 4)
    w2 = jnp.flip(w, (2, 3)).transpose(1, 0, 2, 3)
    y = jax.lax.conv_general_dilated(x, w2, (1, 1), [(2, 2), (2, 2)], lhs_dilation=(2, 2), dimension_numbers=('NCHW', 'OIHW', 'NCHW'))
    return y + b[None, :, None, None]


def _res(x, w1, b1, w2, b2):
    t = jax.nn.relu(x)
    t = _conv(t, w1, b1, 1, 1)
    t = jax.nn.relu(t)
    t = _conv(t, w2, b2, 1, 0)
    return x + t


def setup_inputs(seed: int = 0):
    key = jax.random.key(seed)
    ks = jax.random.split(key, 20)
    s = 0.05
    d = {}
    d['x'] = jax.random.normal(ks[0], (2, IN_CH, 224, 224), dtype=jnp.float32)
    d['enc_w1'] = jax.random.normal(ks[1], (DIM, IN_CH, 4, 4), dtype=jnp.float32) * s
    d['enc_b1'] = jnp.zeros((DIM,), dtype=jnp.float32)
    d['enc_w2'] = jax.random.normal(ks[2], (DIM, DIM, 4, 4), dtype=jnp.float32) * s
    d['enc_b2'] = jnp.zeros((DIM,), dtype=jnp.float32)
    d['enc_w3'] = jax.random.normal(ks[3], (DIM, DIM, 3, 3), dtype=jnp.float32) * s
    d['enc_b3'] = jnp.zeros((DIM,), dtype=jnp.float32)
    d['r1_w1'] = jax.random.normal(ks[4], (DIM, DIM, 3, 3), dtype=jnp.float32) * s
    d['r1_b1'] = jnp.zeros((DIM,), dtype=jnp.float32)
    d['r1_w2'] = jax.random.normal(ks[5], (DIM, DIM, 1, 1), dtype=jnp.float32) * s
    d['r1_b2'] = jnp.zeros((DIM,), dtype=jnp.float32)
    d['r2_w1'] = jax.random.normal(ks[6], (DIM, DIM, 3, 3), dtype=jnp.float32) * s
    d['r2_b1'] = jnp.zeros((DIM,), dtype=jnp.float32)
    d['r2_w2'] = jax.random.normal(ks[7], (DIM, DIM, 1, 1), dtype=jnp.float32) * s
    d['r2_b2'] = jnp.zeros((DIM,), dtype=jnp.float32)
    d['codebook'] = jax.random.uniform(ks[8], (K, DIM), dtype=jnp.float32, minval=-1.0 / K, maxval=1.0 / K)
    d['dec_w1'] = jax.random.normal(ks[9], (DIM, DIM, 3, 3), dtype=jnp.float32) * s
    d['dec_b1'] = jnp.zeros((DIM,), dtype=jnp.float32)
    d['r3_w1'] = jax.random.normal(ks[10], (DIM, DIM, 3, 3), dtype=jnp.float32) * s
    d['r3_b1'] = jnp.zeros((DIM,), dtype=jnp.float32)
    d['r3_w2'] = jax.random.normal(ks[11], (DIM, DIM, 1, 1), dtype=jnp.float32) * s
    d['r3_b2'] = jnp.zeros((DIM,), dtype=jnp.float32)
    d['r4_w1'] = jax.random.normal(ks[12], (DIM, DIM, 3, 3), dtype=jnp.float32) * s
    d['r4_b1'] = jnp.zeros((DIM,), dtype=jnp.float32)
    d['r4_w2'] = jax.random.normal(ks[13], (DIM, DIM, 1, 1), dtype=jnp.float32) * s
    d['r4_b2'] = jnp.zeros((DIM,), dtype=jnp.float32)
    d['dect_w2'] = jax.random.normal(ks[14], (DIM, DIM, 4, 4), dtype=jnp.float32) * s
    d['dect_b2'] = jnp.zeros((DIM,), dtype=jnp.float32)
    d['dect_w3'] = jax.random.normal(ks[15], (DIM, IN_CH, 4, 4), dtype=jnp.float32) * s
    d['dect_b3'] = jnp.zeros((IN_CH,), dtype=jnp.float32)
    return d


def reference(x, enc_w1, enc_b1, enc_w2, enc_b2, enc_w3, enc_b3, r1_w1, r1_b1, r1_w2, r1_b2, r2_w1, r2_b1, r2_w2, r2_b2, codebook, dec_w1, dec_b1, r3_w1, r3_b1, r3_w2, r3_b2, r4_w1, r4_b1, r4_w2, r4_b2, dect_w2, dect_b2, dect_w3, dect_b3):
    # encoder
    h = _conv(x, enc_w1, enc_b1, 2, 1)
    h = jax.nn.relu(h)
    h = _conv(h, enc_w2, enc_b2, 2, 1)
    h = jax.nn.relu(h)
    h = _conv(h, enc_w3, enc_b3, 1, 1)
    h = _res(h, r1_w1, r1_b1, r1_w2, r1_b2)
    ze = _res(h, r2_w1, r2_b1, r2_w2, r2_b2)
    # VQ: distance uses embedding.weight.data (detached) in torch
    emb = jax.lax.stop_gradient(codebook)
    # sum_c (e_kc - z_nchw)^2 expanded to avoid materializing [N,K,C,H,W]; same math
    e_sq = jnp.sum(emb ** 2, axis=1)
    z_sq = jnp.sum(ze ** 2, axis=1)
    cross = jnp.einsum('nchw,kc->nkhw', ze, emb)
    distance = e_sq[None, :, None, None] - 2.0 * cross + z_sq[:, None, :, :]
    nn_idx = jnp.argmin(distance, axis=1)  # [N, H, W]
    # usage count via scatter-add, normalized
    usage = jnp.zeros((K,), dtype=jnp.float32).at[nn_idx.reshape(-1)].add(1.0)
    total = usage.sum()
    usage = jnp.where(total > 0, usage / total, usage)
    # embedding gather + permute NHWC -> NCHW
    zq = jnp.take(codebook, nn_idx, axis=0).transpose(0, 3, 1, 2)
    dec_in = ze + jax.lax.stop_gradient(zq - ze)
    # decoder
    h = _conv(dec_in, dec_w1, dec_b1, 1, 1)
    h = _res(h, r3_w1, r3_b1, r3_w2, r3_b2)
    h = _res(h, r4_w1, r4_b1, r4_w2, r4_b2)
    h = _convt(h, dect_w2, dect_b2)
    h = jax.nn.relu(h)
    x_hat = _convt(h, dect_w3, dect_b3)
    return (x_hat, ze, zq, usage)

if __name__ == "__main__":
    import jax
    _d = setup_inputs()
    print(jax.jit(kernel)(*tuple(_d.values())))

</pallas_src>

<mosaic_0001>
#map = affine_map<(d0, d1) -> (0, 0)>
#map1 = affine_map<(d0, d1) -> (0, 0, 0)>
module attributes {stable_mosaic.version = 14 : i64} {
  func.func @_sc_gather_body(%arg0: i32, %arg1: i32, %arg2: memref<8192x32xf32, #tpu.memory_space<hbm>>, %arg3: memref<32x2x104xi32, #tpu.memory_space<hbm>>, %arg4: memref<6656x32xf32, #tpu.memory_space<hbm>>, %arg5: memref<2x104xi32, #tpu.memory_space<vmem>>, %arg6: memref<208x32xf32, #tpu.memory_space<vmem>>, %arg7: memref<!tpu.dma_semaphore, #tpu.memory_space<semaphore_mem>>) attributes {dimension_semantics = [#tpu.dimension_semantics<core_parallel>, #tpu.dimension_semantics<subcore_parallel>], iteration_bounds = array<i64: 2, 16>, scalar_prefetch = 0 : i64, scratch_operands = 3 : i64, tpu.core_type = #tpu.core_type<sc_vector_subcore>, window_params = [{transform_indices = #map}, {transform_indices = #map1}, {transform_indices = #map}]} {
    %mul3A = arith.constant 2 : i32
    %mul3A_0 = arith.muli %arg1, %mul3A : i32
    %add3A = arith.addi %mul3A_0, %arg0 : i32
    "tpu.region"() ({
      %run_scoped3A = tpu.sem_alloc : memref<!tpu.dma_semaphore, #tpu.memory_space<semaphore_mem>>
      %dma_start3A_41 = arith.constant 0 : i32
      %dma_start3A_42 = arith.constant 0 : i32
      %dma_start3A_43 = tpu.memref_slice %arg3[%add3A, %dma_start3A_41, %dma_start3A_42] : memref<32x2x104xi32, #tpu.memory_space<hbm>> -> memref<1x2x104xi32, #tpu.memory_space<hbm>>
      %dma_start3A_44 = tpu.memref_squeeze %dma_start3A_43 : memref<1x2x104xi32, #tpu.memory_space<hbm>> -> memref<2x104xi32, #tpu.memory_space<hbm>>
      %dma_start3A_45 = arith.constant 0 : i32
      %dma_start3A_46 = arith.constant 0 : i32
      %dma_start3A_47 = tpu.memref_slice %arg3[%add3A, %dma_start3A_45, %dma_start3A_46] : memref<32x2x104xi32, #tpu.memory_space<hbm>> -> memref<1x2x104xi32, #tpu.memory_space<hbm>>
      %dma_start3A_48 = tpu.memref_squeeze %dma_start3A_47 : memref<1x2x104xi32, #tpu.memory_space<hbm>> -> memref<2x104xi32, #tpu.memory_space<hbm>>
      tpu.enqueue_dma source(%dma_start3A_48 : memref<2x104xi32, #tpu.memory_space<hbm>>) target(%arg5 : memref<2x104xi32, #tpu.memory_space<vmem>>) target_semaphore(%run_scoped3A : memref<!tpu.dma_semaphore, #tpu.memory_space<semaphore_mem>>)
      %dma_wait3A_49 = arith.constant 0 : i32
      %dma_wait3A_50 = arith.constant 0 : i32
      %dma_wait3A_51 = tpu.memref_slice %arg3[%add3A, %dma_wait3A_49, %dma_wait3A_50] : memref<32x2x104xi32, #tpu.memory_space<hbm>> -> memref<1x2x104xi32, #tpu.memory_space<hbm>>
      %dma_wait3A_52 = tpu.memref_squeeze %dma_wait3A_51 : memref<1x2x104xi32, #tpu.memory_space<hbm>> -> memref<2x104xi32, #tpu.memory_space<hbm>>
      %dma_wait3A_53 = arith.constant 0 : i32
      %dma_wait3A_54 = arith.constant 0 : i32
      %dma_wait3A_55 = tpu.memref_slice %arg3[%add3A, %dma_wait3A_53, %dma_wait3A_54] : memref<32x2x104xi32, #tpu.memory_space<hbm>> -> memref<1x2x104xi32, #tpu.memory_space<hbm>>
      %dma_wait3A_56 = tpu.memref_squeeze %dma_wait3A_55 : memref<1x2x104xi32, #tpu.memory_space<hbm>> -> memref<2x104xi32, #tpu.memory_space<hbm>>
      tpu.wait_dma2 semaphore(%run_scoped3A : memref<!tpu.dma_semaphore, #tpu.memory_space<semaphore_mem>>) src(%dma_wait3A_56 : memref<2x104xi32, #tpu.memory_space<hbm>>) dst(%arg5 : memref<2x104xi32, #tpu.memory_space<vmem>>)
      tpu.yield
    }) : () -> ()
    %dma_start3A = arith.constant 0 : i32
    %dma_start3A_1 = arith.constant 0 : i32
    %dma_start3A_2 = arith.constant 0 : i32
    %dma_start3A_3 = tpu.memref_slice %arg6[%dma_start3A_1, %dma_start3A_2] : memref<208x32xf32, #tpu.memory_space<vmem>> -> memref<104x32xf32, #tpu.memory_space<vmem>>
    %dma_start3A_4 = arith.constant 0 : i32
    %dma_start3A_5 = tpu.memref_slice %arg5[%dma_start3A, %dma_start3A_4] : memref<2x104xi32, #tpu.memory_space<vmem>> -> memref<1x104xi32, #tpu.memory_space<vmem>>
    %dma_start3A_6 = tpu.memref_squeeze %dma_start3A_5 : memref<1x104xi32, #tpu.memory_space<vmem>> -> memref<104xi32, #tpu.memory_space<vmem>>
    %dma_start3A_7 = arith.constant 0 : i32
    %dma_start3A_8 = arith.constant 0 : i32
    %dma_start3A_9 = tpu.memref_slice %arg2[%dma_start3A_7, %dma_start3A_8] : memref<8192x32xf32, #tpu.memory_space<hbm>> -> memref<8192x32xf32, #tpu.memory_space<hbm>>
    tpu.enqueue_indirect_dma source(%dma_start3A_9 : memref<8192x32xf32, #tpu.memory_space<hbm>>) target(%dma_start3A_3 : memref<104x32xf32, #tpu.memory_space<vmem>>) offsets(%dma_start3A_6 : memref<104xi32, #tpu.memory_space<vmem>>) semaphore(%arg7 : memref<!tpu.dma_semaphore, #tpu.memory_space<semaphore_mem>>)
    %dma_wait3A = arith.constant 0 : i32
    %dma_wait3A_10 = arith.constant 0 : i32
    %dma_wait3A_11 = arith.constant 0 : i32
    %dma_wait3A_12 = tpu.memref_slice %arg6[%dma_wait3A_10, %dma_wait3A_11] : memref<208x32xf32, #tpu.memory_space<vmem>> -> memref<104x32xf32, #tpu.memory_space<vmem>>
    %dma_wait3A_13 = arith.constant 0 : i32
    %dma_wait3A_14 = tpu.memref_slice %arg5[%dma_wait3A, %dma_wait3A_13] : memref<2x104xi32, #tpu.memory_space<vmem>> -> memref<1x104xi32, #tpu.memory_space<vmem>>
    %dma_wait3A_15 = tpu.memref_squeeze %dma_wait3A_14 : memref<1x104xi32, #tpu.memory_space<vmem>> -> memref<104xi32, #tpu.memory_space<vmem>>
    %dma_wait3A_16 = arith.constant 0 : i32
    %dma_wait3A_17 = arith.constant 0 : i32
    %dma_wait3A_18 = tpu.memref_slice %arg2[%dma_wait3A_16, %dma_wait3A_17] : memref<8192x32xf32, #tpu.memory_space<hbm>> -> memref<8192x32xf32, #tpu.memory_space<hbm>>
    tpu.wait_indirect_dma semaphore(%arg7 : memref<!tpu.dma_semaphore, #tpu.memory_space<semaphore_mem>>) src(%dma_wait3A_18 : memref<8192x32xf32, #tpu.memory_space<hbm>>) dst(%dma_wait3A_12 : memref<104x32xf32, #tpu.memory_space<vmem>>)
    %dma_start3A_19 = arith.constant 1 : i32
    %dma_start3A_20 = arith.constant 104 : i32
    %dma_start3A_21 = arith.constant 0 : i32
    %dma_start3A_22 = tpu.memref_slice %arg6[%dma_start3A_20, %dma_start3A_21] : memref<208x32xf32, #tpu.memory_space<vmem>> -> memref<104x32xf32, #tpu.memory_space<vmem>>
    %dma_start3A_23 = arith.constant 0 : i32
    %dma_start3A_24 = tpu.memref_slice %arg5[%dma_start3A_19, %dma_start3A_23] : memref<2x104xi32, #tpu.memory_space<vmem>> -> memref<1x104xi32, #tpu.memory_space<vmem>>
    %dma_start3A_25 = tpu.memref_squeeze %dma_start3A_24 : memref<1x104xi32, #tpu.memory_space<vmem>> -> memref<104xi32, #tpu.memory_space<vmem>>
    %dma_start3A_26 = arith.constant 0 : i32
    %dma_start3A_27 = arith.constant 0 : i32
    %dma_start3A_28 = tpu.memref_slice %arg2[%dma_start3A_26, %dma_start3A_27] : memref<8192x32xf32, #tpu.memory_space<hbm>> -> memref<8192x32xf32, #tpu.memory_space<hbm>>
    tpu.enqueue_indirect_dma source(%dma_start3A_28 : memref<8192x32xf32, #tpu.memory_space<hbm>>) target(%dma_start3A_22 : memref<104x32xf32, #tpu.memory_space<vmem>>) offsets(%dma_start3A_25 : memref<104xi32, #tpu.memory_space<vmem>>) semaphore(%arg7 : memref<!tpu.dma_semaphore, #tpu.memory_space<semaphore_mem>>)
    %dma_wait3A_29 = arith.constant 1 : i32
    %dma_wait3A_30 = arith.constant 104 : i32
    %dma_wait3A_31 = arith.constant 0 : i32
    %dma_wait3A_32 = tpu.memref_slice %arg6[%dma_wait3A_30, %dma_wait3A_31] : memref<208x32xf32, #tpu.memory_space<vmem>> -> memref<104x32xf32, #tpu.memory_space<vmem>>
    %dma_wait3A_33 = arith.constant 0 : i32
    %dma_wait3A_34 = tpu.memref_slice %arg5[%dma_wait3A_29, %dma_wait3A_33] : memref<2x104xi32, #tpu.memory_space<vmem>> -> memref<1x104xi32, #tpu.memory_space<vmem>>
    %dma_wait3A_35 = tpu.memref_squeeze %dma_wait3A_34 : memref<1x104xi32, #tpu.memory_space<vmem>> -> memref<104xi32, #tpu.memory_space<vmem>>
    %dma_wait3A_36 = arith.constant 0 : i32
    %dma_wait3A_37 = arith.constant 0 : i32
    %dma_wait3A_38 = tpu.memref_slice %arg2[%dma_wait3A_36, %dma_wait3A_37] : memref<8192x32xf32, #tpu.memory_space<hbm>> -> memref<8192x32xf32, #tpu.memory_space<hbm>>
    tpu.wait_indirect_dma semaphore(%arg7 : memref<!tpu.dma_semaphore, #tpu.memory_space<semaphore_mem>>) src(%dma_wait3A_38 : memref<8192x32xf32, #tpu.memory_space<hbm>>) dst(%dma_wait3A_32 : memref<104x32xf32, #tpu.memory_space<vmem>>)
    %mul3A_39 = arith.constant 208 : i32
    %mul3A_40 = arith.muli %add3A, %mul3A_39 : i32
    "tpu.region"() ({
      %run_scoped3A = tpu.sem_alloc : memref<!tpu.dma_semaphore, #tpu.memory_space<semaphore_mem>>
      %dma_start3A_41 = arith.constant 0 : i32
      %dma_start3A_42 = tpu.memref_slice %arg4[%mul3A_40, %dma_start3A_41] : memref<6656x32xf32, #tpu.memory_space<hbm>> -> memref<208x32xf32, #tpu.memory_space<hbm>>
      %dma_start3A_43 = arith.constant 0 : i32
      %dma_start3A_44 = tpu.memref_slice %arg4[%mul3A_40, %dma_start3A_43] : memref<6656x32xf32, #tpu.memory_space<hbm>> -> memref<208x32xf32, #tpu.memory_space<hbm>>
      tpu.enqueue_dma source(%arg6 : memref<208x32xf32, #tpu.memory_space<vmem>>) target(%dma_start3A_44 : memref<208x32xf32, #tpu.memory_space<hbm>>) target_semaphore(%run_scoped3A : memref<!tpu.dma_semaphore, #tpu.memory_space<semaphore_mem>>)
      %dma_wait3A_45 = arith.constant 0 : i32
      %dma_wait3A_46 = tpu.memref_slice %arg4[%mul3A_40, %dma_wait3A_45] : memref<6656x32xf32, #tpu.memory_space<hbm>> -> memref<208x32xf32, #tpu.memory_space<hbm>>
      %dma_wait3A_47 = arith.constant 0 : i32
      %dma_wait3A_48 = tpu.memref_slice %arg4[%mul3A_40, %dma_wait3A_47] : memref<6656x32xf32, #tpu.memory_space<hbm>> -> memref<208x32xf32, #tpu.memory_space<hbm>>
      tpu.wait_dma2 semaphore(%run_scoped3A : memref<!tpu.dma_semaphore, #tpu.memory_space<semaphore_mem>>) src(%arg6 : memref<208x32xf32, #tpu.memory_space<vmem>>) dst(%dma_wait3A_48 : memref<208x32xf32, #tpu.memory_space<hbm>>)
      tpu.yield
    }) : () -> ()
    return
  }
}

#map = affine_map<(d0, d1) -> (0, 0, 0)>
#map1 = affine_map<(d0, d1) -> (0, 0)>
module attributes {stable_mosaic.version = 14 : i64} {
  func.func @_sc_usage_body(%arg0: i32, %arg1: i32, %arg2: memref<32x2x104xi32, #tpu.memory_space<hbm>>, %arg3: memref<104x8xf32, #tpu.memory_space<hbm>>, %arg4: memref<8448x8xf32, #tpu.memory_space<hbm>>, %arg5: memref<2x8448x8xf32, #tpu.memory_space<hbm>>, %arg6: memref<2x104xi32, #tpu.memory_space<vmem>>, %arg7: memref<104x8xf32, #tpu.memory_space<vmem>>, %arg8: memref<8448x8xf32, #tpu.memory_space<vmem_shared>>, %arg9: memref<!tpu.dma_semaphore, #tpu.memory_space<semaphore_mem>>) attributes {dimension_semantics = [#tpu.dimension_semantics<core_parallel>, #tpu.dimension_semantics<subcore_parallel>], iteration_bounds = array<i64: 2, 16>, scalar_prefetch = 0 : i64, scratch_operands = 4 : i64, tpu.core_type = #tpu.core_type<sc_vector_subcore>, window_params = [{transform_indices = #map}, {transform_indices = #map1}, {transform_indices = #map1}, {transform_indices = #map}]} {
    %mul3A = arith.constant 2 : i32
    %mul3A_0 = arith.muli %arg1, %mul3A : i32
    %add3A = arith.addi %mul3A_0, %arg0 : i32
    %mul3A_1 = arith.constant 528 : i32
    %mul3A_2 = arith.muli %arg1, %mul3A_1 : i32
    %mul3A_3 = arith.constant 528 : i32
    %mul3A_4 = arith.muli %arg1, %mul3A_3 : i32
    "tpu.region"() ({
      %run_scoped3A_11 = tpu.sem_alloc : memref<!tpu.dma_semaphore, #tpu.memory_space<semaphore_mem>>
      %dma_start3A = arith.constant 0 : i32
      %dma_start3A_12 = tpu.memref_slice %arg8[%mul3A_4, %dma_start3A] : memref<8448x8xf32, #tpu.memory_space<vmem_shared>> -> memref<528x8xf32, #tpu.memory_space<vmem_shared>>
      %dma_start3A_13 = arith.constant 0 : i32
      %dma_start3A_14 = tpu.memref_slice %arg4[%mul3A_2, %dma_start3A_13] : memref<8448x8xf32, #tpu.memory_space<hbm>> -> memref<528x8xf32, #tpu.memory_space<hbm>>
      tpu.enqueue_dma source(%dma_start3A_14 : memref<528x8xf32, #tpu.memory_space<hbm>>) target(%dma_start3A_12 : memref<528x8xf32, #tpu.memory_space<vmem_shared>>) target_semaphore(%run_scoped3A_11 : memref<!tpu.dma_semaphore, #tpu.memory_space<semaphore_mem>>)
      %dma_wait3A = arith.constant 0 : i32
      %dma_wait3A_15 = tpu.memref_slice %arg8[%mul3A_4, %dma_wait3A] : memref<8448x8xf32, #tpu.memory_space<vmem_shared>> -> memref<528x8xf32, #tpu.memory_space<vmem_shared>>
      %dma_wait3A_16 = arith.constant 0 : i32
      %dma_wait3A_17 = tpu.memref_slice %arg4[%mul3A_2, %dma_wait3A_16] : memref<8448x8xf32, #tpu.memory_space<hbm>> -> memref<528x8xf32, #tpu.memory_space<hbm>>
      tpu.wait_dma2 semaphore(%run_scoped3A_11 : memref<!tpu.dma_semaphore, #tpu.memory_space<semaphore_mem>>) src(%dma_wait3A_17 : memref<528x8xf32, #tpu.memory_space<hbm>>) dst(%dma_wait3A_15 : memref<528x8xf32, #tpu.memory_space<vmem_shared>>)
      tpu.yield
    }) : () -> ()
    "tpu.region"() ({
      %run_scoped3A_11 = tpu.sem_alloc : memref<!tpu.dma_semaphore, #tpu.memory_space<semaphore_mem>>
      %dma_start3A = arith.constant 0 : i32
      %dma_start3A_12 = arith.constant 0 : i32
      %dma_start3A_13 = tpu.memref_slice %arg2[%add3A, %dma_start3A, %dma_start3A_12] : memref<32x2x104xi32, #tpu.memory_space<hbm>> -> memref<1x2x104xi32, #tpu.memory_space<hbm>>
      %dma_start3A_14 = tpu.memref_squeeze %dma_start3A_13 : memref<1x2x104xi32, #tpu.memory_space<hbm>> -> memref<2x104xi32, #tpu.memory_space<hbm>>
      %dma_start3A_15 = arith.constant 0 : i32
      %dma_start3A_16 = arith.constant 0 : i32
      %dma_start3A_17 = tpu.memref_slice %arg2[%add3A, %dma_start3A_15, %dma_start3A_16] : memref<32x2x104xi32, #tpu.memory_space<hbm>> -> memref<1x2x104xi32, #tpu.memory_space<hbm>>
      %dma_start3A_18 = tpu.memref_squeeze %dma_start3A_17 : memref<1x2x104xi32, #tpu.memory_space<hbm>> -> memref<2x104xi32, #tpu.memory_space<hbm>>
      tpu.enqueue_dma source(%dma_start3A_18 : memref<2x104xi32, #tpu.memory_space<hbm>>) target(%arg6 : memref<2x104xi32, #tpu.memory_space<vmem>>) target_semaphore(%run_scoped3A_11 : memref<!tpu.dma_semaphore, #tpu.memory_space<semaphore_mem>>)
      %dma_wait3A = arith.constant 0 : i32
      %dma_wait3A_19 = arith.constant 0 : i32
      %dma_wait3A_20 = tpu.memref_slice %arg2[%add3A, %dma_wait3A, %dma_wait3A_19] : memref<32x2x104xi32, #tpu.memory_space<hbm>> -> memref<1x2x104xi32, #tpu.memory_space<hbm>>
      %dma_wait3A_21 = tpu.memref_squeeze %dma_wait3A_20 : memref<1x2x104xi32, #tpu.memory_space<hbm>> -> memref<2x104xi32, #tpu.memory_space<hbm>>
      %dma_wait3A_22 = arith.constant 0 : i32
      %dma_wait3A_23 = arith.constant 0 : i32
      %dma_wait3A_24 = tpu.memref_slice %arg2[%add3A, %dma_wait3A_22, %dma_wait3A_23] : memref<32x2x104xi32, #tpu.memory_space<hbm>> -> memref<1x2x104xi32, #tpu.memory_space<hbm>>
      %dma_wait3A_25 = tpu.memref_squeeze %dma_wait3A_24 : memref<1x2x104xi32, #tpu.memory_space<hbm>> -> memref<2x104xi32, #tpu.memory_space<hbm>>
      tpu.wait_dma2 semaphore(%run_scoped3A_11 : memref<!tpu.dma_semaphore, #tpu.memory_space<semaphore_mem>>) src(%dma_wait3A_25 : memref<2x104xi32, #tpu.memory_space<hbm>>) dst(%arg6 : memref<2x104xi32, #tpu.memory_space<vmem>>)
      tpu.yield
    }) : () -> ()
    "tpu.region"() ({
      %run_scoped3A_11 = tpu.sem_alloc : memref<!tpu.dma_semaphore, #tpu.memory_space<semaphore_mem>>
      tpu.enqueue_dma source(%arg3 : memref<104x8xf32, #tpu.memory_space<hbm>>) target(%arg7 : memref<104x8xf32, #tpu.memory_space<vmem>>) target_semaphore(%run_scoped3A_11 : memref<!tpu.dma_semaphore, #tpu.memory_space<semaphore_mem>>)
      tpu.wait_dma2 semaphore(%run_scoped3A_11 : memref<!tpu.dma_semaphore, #tpu.memory_space<semaphore_mem>>) src(%arg3 : memref<104x8xf32, #tpu.memory_space<hbm>>) dst(%arg7 : memref<104x8xf32, #tpu.memory_space<vmem>>)
      tpu.yield
    }) : () -> ()
    %barrier3A = arith.constant 0 : index
    tpu.barrier barrier_id(%barrier3A)
    %run_scoped3A = arith.constant 0 : i32
    "tpu.region"() ({
      %run_scoped3A_11 = tpu.sem_alloc : memref<!tpu.dma_semaphore, #tpu.memory_space<semaphore_mem>>
      %dma_start3A = arith.constant 0 : i32
      %dma_start3A_12 = tpu.memref_slice %arg6[%run_scoped3A, %dma_start3A] : memref<2x104xi32, #tpu.memory_space<vmem>> -> memref<1x104xi32, #tpu.memory_space<vmem>>
      %dma_start3A_13 = tpu.memref_squeeze %dma_start3A_12 : memref<1x104xi32, #tpu.memory_space<vmem>> -> memref<104xi32, #tpu.memory_space<vmem>>
      %dma_start3A_14 = arith.constant 0 : i32
      %dma_start3A_15 = arith.constant 0 : i32
      %dma_start3A_16 = tpu.memref_slice %arg8[%dma_start3A_14, %dma_start3A_15] : memref<8448x8xf32, #tpu.memory_space<vmem_shared>> -> memref<8448x8xf32, #tpu.memory_space<vmem_shared>>
      tpu.enqueue_indirect_dma source(%arg7 : memref<104x8xf32, #tpu.memory_space<vmem>>) target(%dma_start3A_16 : memref<8448x8xf32, #tpu.memory_space<vmem_shared>>) offsets(%dma_start3A_13 : memref<104xi32, #tpu.memory_space<vmem>>) semaphore(%run_scoped3A_11 : memref<!tpu.dma_semaphore, #tpu.memory_space<semaphore_mem>>) {add = true}
      %dma_wait3A = arith.constant 0 : i32
      %dma_wait3A_17 = tpu.memref_slice %arg6[%run_scoped3A, %dma_wait3A] : memref<2x104xi32, #tpu.memory_space<vmem>> -> memref<1x104xi32, #tpu.memory_space<vmem>>
      %dma_wait3A_18 = tpu.memref_squeeze %dma_wait3A_17 : memref<1x104xi32, #tpu.memory_space<vmem>> -> memref<104xi32, #tpu.memory_space<vmem>>
      %dma_wait3A_19 = arith.constant 0 : i32
      %dma_wait3A_20 = arith.constant 0 : i32
      %dma_wait3A_21 = tpu.memref_slice %arg8[%dma_wait3A_19, %dma_wait3A_20] : memref<8448x8xf32, #tpu.memory_space<vmem_shared>> -> memref<8448x8xf32, #tpu.memory_space<vmem_shared>>
      tpu.wait_indirect_dma semaphore(%run_scoped3A_11 : memref<!tpu.dma_semaphore, #tpu.memory_space<semaphore_mem>>) src(%arg7 : memref<104x8xf32, #tpu.memory_space<vmem>>) dst(%dma_wait3A_21 : memref<8448x8xf32, #tpu.memory_space<vmem_shared>>)
      tpu.yield
    }) : () -> ()
    %run_scoped3A_5 = arith.constant 1 : i32
    "tpu.region"() ({
      %run_scoped3A_11 = tpu.sem_alloc : memref<!tpu.dma_semaphore, #tpu.memory_space<semaphore_mem>>
      %dma_start3A = arith.constant 0 : i32
      %dma_start3A_12 = tpu.memref_slice %arg6[%run_scoped3A_5, %dma_start3A] : memref<2x104xi32, #tpu.memory_space<vmem>> -> memref<1x104xi32, #tpu.memory_space<vmem>>
      %dma_start3A_13 = tpu.memref_squeeze %dma_start3A_12 : memref<1x104xi32, #tpu.memory_space<vmem>> -> memref<104xi32, #tpu.memory_space<vmem>>
      %dma_start3A_14 = arith.constant 0 : i32
      %dma_start3A_15 = arith.constant 0 : i32
      %dma_start3A_16 = tpu.memref_slice %arg8[%dma_start3A_14, %dma_start3A_15] : memref<8448x8xf32, #tpu.memory_space<vmem_shared>> -> memref<8448x8xf32, #tpu.memory_space<vmem_shared>>
      tpu.enqueue_indirect_dma source(%arg7 : memref<104x8xf32, #tpu.memory_space<vmem>>) target(%dma_start3A_16 : memref<8448x8xf32, #tpu.memory_space<vmem_shared>>) offsets(%dma_start3A_13 : memref<104xi32, #tpu.memory_space<vmem>>) semaphore(%run_scoped3A_11 : memref<!tpu.dma_semaphore, #tpu.memory_space<semaphore_mem>>) {add = true}
      %dma_wait3A = arith.constant 0 : i32
      %dma_wait3A_17 = tpu.memref_slice %arg6[%run_scoped3A_5, %dma_wait3A] : memref<2x104xi32, #tpu.memory_space<vmem>> -> memref<1x104xi32, #tpu.memory_space<vmem>>
      %dma_wait3A_18 = tpu.memref_squeeze %dma_wait3A_17 : memref<1x104xi32, #tpu.memory_space<vmem>> -> memref<104xi32, #tpu.memory_space<vmem>>
      %dma_wait3A_19 = arith.constant 0 : i32
      %dma_wait3A_20 = arith.constant 0 : i32
      %dma_wait3A_21 = tpu.memref_slice %arg8[%dma_wait3A_19, %dma_wait3A_20] : memref<8448x8xf32, #tpu.memory_space<vmem_shared>> -> memref<8448x8xf32, #tpu.memory_space<vmem_shared>>
      tpu.wait_indirect_dma semaphore(%run_scoped3A_11 : memref<!tpu.dma_semaphore, #tpu.memory_space<semaphore_mem>>) src(%arg7 : memref<104x8xf32, #tpu.memory_space<vmem>>) dst(%dma_wait3A_21 : memref<8448x8xf32, #tpu.memory_space<vmem_shared>>)
      tpu.yield
    }) : () -> ()
    %barrier3A_6 = arith.constant 0 : index
    tpu.barrier barrier_id(%barrier3A_6)
    %mul3A_7 = arith.constant 528 : i32
    %mul3A_8 = arith.muli %arg1, %mul3A_7 : i32
    %mul3A_9 = arith.constant 528 : i32
    %mul3A_10 = arith.muli %arg1, %mul3A_9 : i32
    "tpu.region"() ({
      %run_scoped3A_11 = tpu.sem_alloc : memref<!tpu.dma_semaphore, #tpu.memory_space<semaphore_mem>>
      %dma_start3A = arith.constant 0 : i32
      %dma_start3A_12 = tpu.memref_slice %arg5[%arg0, %mul3A_10, %dma_start3A] : memref<2x8448x8xf32, #tpu.memory_space<hbm>> -> memref<1x528x8xf32, #tpu.memory_space<hbm>>
      %dma_start3A_13 = tpu.memref_squeeze %dma_start3A_12 : memref<1x528x8xf32, #tpu.memory_space<hbm>> -> memref<528x8xf32, #tpu.memory_space<hbm>>
      %dma_start3A_14 = arith.constant 0 : i32
      %dma_start3A_15 = tpu.memref_slice %arg8[%mul3A_8, %dma_start3A_14] : memref<8448x8xf32, #tpu.memory_space<vmem_shared>> -> memref<528x8xf32, #tpu.memory_space<vmem_shared>>
      tpu.enqueue_dma source(%dma_start3A_15 : memref<528x8xf32, #tpu.memory_space<vmem_shared>>) target(%dma_start3A_13 : memref<528x8xf32, #tpu.memory_space<hbm>>) target_semaphore(%run_scoped3A_11 : memref<!tpu.dma_semaphore, #tpu.memory_space<semaphore_mem>>)
      %dma_wait3A = arith.constant 0 : i32
      %dma_wait3A_16 = tpu.memref_slice %arg5[%arg0, %mul3A_10, %dma_wait3A] : memref<2x8448x8xf32, #tpu.memory_space<hbm>> -> memref<1x528x8xf32, #tpu.memory_space<hbm>>
      %dma_wait3A_17 = tpu.memref_squeeze %dma_wait3A_16 : memref<1x528x8xf32, #tpu.memory_space<hbm>> -> memref<528x8xf32, #tpu.memory_space<hbm>>
      %dma_wait3A_18 = arith.constant 0 : i32
      %dma_wait3A_19 = tpu.memref_slice %arg8[%mul3A_8, %dma_wait3A_18] : memref<8448x8xf32, #tpu.memory_space<vmem_shared>> -> memref<528x8xf32, #tpu.memory_space<vmem_shared>>
      tpu.wait_dma2 semaphore(%run_scoped3A_11 : memref<!tpu.dma_semaphore, #tpu.memory_space<semaphore_mem>>) src(%dma_wait3A_19 : memref<528x8xf32, #tpu.memory_space<vmem_shared>>) dst(%dma_wait3A_17 : memref<528x8xf32, #tpu.memory_space<hbm>>)
      tpu.yield
    }) : () -> ()
    return
  }
}

module attributes {stable_mosaic.version = 14 : i64} {
  func.func @_vq_body(%arg0: i32, %arg1: memref<1024x1xf32, #tpu.memory_space<vmem>>, %arg2: memref<1024x32xbf16, #tpu.memory_space<vmem>>, %arg3: memref<32x6272xbf16, #tpu.memory_space<vmem>>, %arg4: memref<1x6272xf32, #tpu.memory_space<vmem>>, %arg5: memref<1x6272xi32, #tpu.memory_space<vmem>>, %arg6: memref<1x6272xf32, #tpu.memory_space<vmem>>, %arg7: memref<1x6272xi32, #tpu.memory_space<vmem>>, %arg8: memref<1024x6272xi32, #tpu.memory_space<vmem>>) attributes {dimension_semantics = [#tpu.dimension_semantics<arbitrary>], iteration_bounds = array<i64: 8>, scalar_prefetch = 0 : i64, scratch_operands = 3 : i64, tpu.core_type = #tpu.core_type<tc>, window_params = [{transform_indices = @transform_0, window_bounds = array<i64: 1024, 1>}, {transform_indices = @transform_1, window_bounds = array<i64: 1024, 32>}, {pipeline_mode = #tpu.pipeline_mode<synchronous>, transform_indices = @transform_2, window_bounds = array<i64: 32, 6272>}, {pipeline_mode = #tpu.pipeline_mode<synchronous>, transform_indices = @transform_3, window_bounds = array<i64: 1, 6272>}, {pipeline_mode = #tpu.pipeline_mode<synchronous>, transform_indices = @transform_4, window_bounds = array<i64: 1, 6272>}]} {
    %eq3A = arith.constant 0 : i32
    %eq3A_0 = arith.cmpi eq, %arg0, %eq3A : i32
    %convert_element_type3A = arith.extui %eq3A_0 : i1 to i32
    %cond3A = arith.constant 0 : i32
    %cond3A_1 = arith.cmpi ne, %convert_element_type3A, %cond3A : i32
    scf.if %cond3A_1 {
      %iota3A = tpu.iota {dimensions = array<i32: 0>} : vector<1024x6272xi32>
      %swap3A = arith.constant 0 : index
      %swap3A_44 = arith.constant 0 : index
      %swap3A_45 = vector.load %arg8[%swap3A, %swap3A_44] : memref<1024x6272xi32, #tpu.memory_space<vmem>>, vector<1024x6272xi32>
      tpu.vector_store %arg8[%swap3A, %swap3A_44], %iota3A {strides = array<i32>} : memref<1024x6272xi32, #tpu.memory_space<vmem>>, vector<1024x6272xi32>,
    } else {
    }
    %get3A = arith.constant 0 : index
    %get3A_2 = arith.constant 0 : index
    %get3A_3 = vector.load %arg2[%get3A, %get3A_2] : memref<1024x32xbf16, #tpu.memory_space<vmem>>, vector<1024x32xbf16>
    %get3A_4 = arith.constant 0 : index
    %get3A_5 = arith.constant 0 : index
    %get3A_6 = vector.load %arg3[%get3A_4, %get3A_5] : memref<32x6272xbf16, #tpu.memory_space<vmem>>, vector<32x6272xbf16>
    %dot_general3A = arith.constant dense<0.000000e+00> : vector<1024x6272xf32>
    %dot_general3A_7 = tpu.matmul %get3A_3, %get3A_6, %dot_general3A {dimension_numbers = #tpu.dot_dimension_numbers<[1], [0], [0], [1], [0, 0, 1, 1], [], []>, transpose_lhs_hint = false} : vector<1024x32xbf16>, vector<32x6272xbf16>, vector<1024x6272xf32> -> vector<1024x6272xf32>
    %get3A_8 = arith.constant 0 : index
    %get3A_9 = arith.constant 0 : index
    %get3A_10 = vector.load %arg1[%get3A_8, %get3A_9] : memref<1024x1xf32, #tpu.memory_space<vmem>>, vector<1024x1xf32>
    %add3A = vector.broadcast %get3A_10 : vector<1024x1xf32> to vector<1024x6272xf32>
    %add3A_11 = arith.addf %add3A, %dot_general3A_7 : vector<1024x6272xf32>
    %get3A_12 = arith.constant 0 : index
    %get3A_13 = arith.constant 0 : index
    %get3A_14 = vector.load %arg4[%get3A_12, %get3A_13] : memref<1x6272xf32, #tpu.memory_space<vmem>>, vector<1x6272xf32>
    %add3A_15 = vector.broadcast %get3A_14 : vector<1x6272xf32> to vector<1024x6272xf32>
    %add3A_16 = arith.addf %add3A_11, %add3A_15 : vector<1024x6272xf32>
    %reduce_min3A = arith.constant dense<0x7F800000> : vector<6272xf32>
    %reduce_min3A_17 = vector.multi_reduction <minimumf>, %add3A_16, %reduce_min3A [0] : vector<1024x6272xf32> to vector<6272xf32>
    %broadcast_in_dim3A = vector.shape_cast %reduce_min3A_17 : vector<6272xf32> to vector<1x6272xf32>
    %eq3A_18 = vector.broadcast %broadcast_in_dim3A : vector<1x6272xf32> to vector<1024x6272xf32>
    %eq3A_19 = arith.cmpf oeq, %add3A_16, %eq3A_18 : vector<1024x6272xf32>
    %get3A_20 = arith.constant 0 : index
    %get3A_21 = arith.constant 0 : index
    %get3A_22 = vector.load %arg8[%get3A_20, %get3A_21] : memref<1024x6272xi32, #tpu.memory_space<vmem>>, vector<1024x6272xi32>
    %jit3A = arith.constant 1073741824 : i32
    %broadcast_in_dim3A_23 = vector.broadcast %jit3A : i32 to vector<1024x6272xi32>
    %select_n3A = arith.select %eq3A_19, %get3A_22, %broadcast_in_dim3A_23 : vector<1024x6272xi1>, vector<1024x6272xi32>
    %reduce_min3A_24 = arith.constant dense<2147483647> : vector<6272xi32>
    %reduce_min3A_25 = vector.multi_reduction <minsi>, %select_n3A, %reduce_min3A_24 [0] : vector<1024x6272xi32> to vector<6272xi32>
    %broadcast_in_dim3A_26 = vector.shape_cast %reduce_min3A_25 : vector<6272xi32> to vector<1x6272xi32>
    %mul3A = arith.constant 1024 : i32
    %mul3A_27 = arith.muli %arg0, %mul3A : i32
    %add3A_28 = vector.broadcast %mul3A_27 : i32 to vector<1x6272xi32>
    %add3A_29 = arith.addi %broadcast_in_dim3A_26, %add3A_28 : vector<1x6272xi32>
    %eq3A_30 = arith.constant 0 : i32
    %eq3A_31 = arith.cmpi eq, %arg0, %eq3A_30 : i32
    %convert_element_type3A_32 = arith.extui %eq3A_31 : i1 to i32
    %cond3A_33 = arith.constant 0 : i32
    %cond3A_34 = arith.cmpi ne, %convert_element_type3A_32, %cond3A_33 : i32
    scf.if %cond3A_34 {
      %swap3A = arith.constant 0 : index
      %swap3A_44 = arith.constant 0 : index
      %swap3A_45 = vector.load %arg6[%swap3A, %swap3A_44] : memref<1x6272xf32, #tpu.memory_space<vmem>>, vector<1x6272xf32>
      tpu.vector_store %arg6[%swap3A, %swap3A_44], %broadcast_in_dim3A {strides = array<i32>} : memref<1x6272xf32, #tpu.memory_space<vmem>>, vector<1x6272xf32>,
      %swap3A_46 = arith.constant 0 : index
      %swap3A_47 = arith.constant 0 : index
      %swap3A_48 = vector.load %arg7[%swap3A_46, %swap3A_47] : memref<1x6272xi32, #tpu.memory_space<vmem>>, vector<1x6272xi32>
      tpu.vector_store %arg7[%swap3A_46, %swap3A_47], %add3A_29 {strides = array<i32>} : memref<1x6272xi32, #tpu.memory_space<vmem>>, vector<1x6272xi32>,
    } else {
    }
    %gt3A = arith.constant 0 : i32
    %gt3A_35 = arith.cmpi sgt, %arg0, %gt3A : i32
    %convert_element_type3A_36 = arith.extui %gt3A_35 : i1 to i32
    %cond3A_37 = arith.constant 0 : i32
    %cond3A_38 = arith.cmpi ne, %convert_element_type3A_36, %cond3A_37 : i32
    scf.if %cond3A_38 {
      %get3A_44 = arith.constant 0 : index
      %get3A_45 = arith.constant 0 : index
      %get3A_46 = vector.load %arg6[%get3A_44, %get3A_45] : memref<1x6272xf32, #tpu.memory_space<vmem>>, vector<1x6272xf32>
      %lt3A = arith.cmpf olt, %broadcast_in_dim3A, %get3A_46 : vector<1x6272xf32>
      %get3A_47 = arith.constant 0 : index
      %get3A_48 = arith.constant 0 : index
      %get3A_49 = vector.load %arg7[%get3A_47, %get3A_48] : memref<1x6272xi32, #tpu.memory_space<vmem>>, vector<1x6272xi32>
      %select_n3A_50 = arith.select %lt3A, %add3A_29, %get3A_49 : vector<1x6272xi1>, vector<1x6272xi32>
      %swap3A = arith.constant 0 : index
      %swap3A_51 = arith.constant 0 : index
      %swap3A_52 = vector.load %arg7[%swap3A, %swap3A_51] : memref<1x6272xi32, #tpu.memory_space<vmem>>, vector<1x6272xi32>
      tpu.vector_store %arg7[%swap3A, %swap3A_51], %select_n3A_50 {strides = array<i32>} : memref<1x6272xi32, #tpu.memory_space<vmem>>, vector<1x6272xi32>,
      %get3A_53 = arith.constant 0 : index
      %get3A_54 = arith.constant 0 : index
      %get3A_55 = vector.load %arg6[%get3A_53, %get3A_54] : memref<1x6272xf32, #tpu.memory_space<vmem>>, vector<1x6272xf32>
      %select_n3A_56 = arith.select %lt3A, %broadcast_in_dim3A, %get3A_55 : vector<1x6272xi1>, vector<1x6272xf32>
      %swap3A_57 = arith.constant 0 : index
      %swap3A_58 = arith.constant 0 : index
      %swap3A_59 = vector.load %arg6[%swap3A_57, %swap3A_58] : memref<1x6272xf32, #tpu.memory_space<vmem>>, vector<1x6272xf32>
      tpu.vector_store %arg6[%swap3A_57, %swap3A_58], %select_n3A_56 {strides = array<i32>} : memref<1x6272xf32, #tpu.memory_space<vmem>>, vector<1x6272xf32>,
    } else {
    }
    %eq3A_39 = arith.constant 7 : i32
    %eq3A_40 = arith.cmpi eq, %arg0, %eq3A_39 : i32
    %convert_element_type3A_41 = arith.extui %eq3A_40 : i1 to i32
    %cond3A_42 = arith.constant 0 : i32
    %cond3A_43 = arith.cmpi ne, %convert_element_type3A_41, %cond3A_42 : i32
    scf.if %cond3A_43 {
      %get3A_44 = arith.constant 0 : index
      %get3A_45 = arith.constant 0 : index
      %get3A_46 = vector.load %arg7[%get3A_44, %get3A_45] : memref<1x6272xi32, #tpu.memory_space<vmem>>, vector<1x6272xi32>
      %swap3A = arith.constant 0 : index
      %swap3A_47 = arith.constant 0 : index
      %swap3A_48 = vector.load %arg5[%swap3A, %swap3A_47] : memref<1x6272xi32, #tpu.memory_space<vmem>>, vector<1x6272xi32>
      tpu.vector_store %arg5[%swap3A, %swap3A_47], %get3A_46 {strides = array<i32>} : memref<1x6272xi32, #tpu.memory_space<vmem>>, vector<1x6272xi32>,
    } else {
    }
    return
  }
  func.func @transform_0(%arg0: i32) -> (i32, i32) {
    %c0_i32 = arith.constant 0 : i32
    %c0_i32_0 = arith.constant 0 : i32
    return %arg0, %c0_i32 : i32, i32
  }
  func.func @transform_1(%arg0: i32) -> (i32, i32) {
    %c0_i32 = arith.constant 0 : i32
    %c0_i32_0 = arith.constant 0 : i32
    return %arg0, %c0_i32 : i32, i32
  }
  func.func @transform_2(%arg0: i32) -> (i32, i32) {
    %c0_i32 = arith.constant 0 : i32
    %c0_i32_0 = arith.constant 0 : i32
    %c0_i32_1 = arith.constant 0 : i32
    return %c0_i32, %c0_i32_0 : i32, i32
  }
  func.func @transform_3(%arg0: i32) -> (i32, i32) {
    %c0_i32 = arith.constant 0 : i32
    %c0_i32_0 = arith.constant 0 : i32
    %c0_i32_1 = arith.constant 0 : i32
    return %c0_i32, %c0_i32_0 : i32, i32
  }
  func.func @transform_4(%arg0: i32) -> (i32, i32) {
    %c0_i32 = arith.constant 0 : i32
    %c0_i32_0 = arith.constant 0 : i32
    %c0_i32_1 = arith.constant 0 : i32
    return %c0_i32, %c0_i32_0 : i32, i32
  }
}

</mosaic_0001>

<sc_bundles>
// kernel: kernel.5.cloned.1.call-start
scs
__scs_entry_jumppad:
0x0: {  	(pc) =	sbr.rel $0x88, $3  }
0x1: {  	(tag) =	ssettag $0x0;
	lr =	simm.s32 $0x1  }
0x2: {  	[smem:$0x3F83] =	sst lr;
	_ =	strace $0xD0000000  }
0x3: {  	_ = 	snop  }
0x4: {  	_ = 	snop  }
0x5: {  	_ = 	snop  }
0x6: {  	_ = 	snop  }
0x7: {  	_ = 	snop  }
__scs_overlays_trampoline_lowered:
0x8: {  	[smem:$0x3F92] =	sst s0  }
0x9: {  	[smem:$0x3F93] =	sst s1  }
0xa: {  	[smem:$0x3F94] =	sst s2  }
0xb: {  	[smem:$0x3F95] =	sst s3  }
0xc: {  	[smem:$0x3F96] =	sst s4  }
0xd: {  	[smem:$0x3F97] =	sst s5  }
0xe: {  	[smem:$0x3F98] =	sst s6  }
0xf: {  	[smem:$0x3F99] =	sst s7  }
0x10: {  	[smem:$0x3F9A] =	sst s8  }
0x11: {  	[smem:$0x3F9B] =	sst s9;
	s0 =	simm.s32 @!p0 $0x0  }
0x12: {  	s1 =	sld [smem:$0x3F81];
	s0 =	simm.s32 @p0 $0x1  }
0x13: {  	[smem:$0x3F9C] =	sst s0;
	s0 =	simm.s32 @!p1 $0x0  }
0x14: {  	s2 =	sld [smem:$0x3F80];
	s0 =	simm.s32 @p1 $0x1  }
0x15: {  	[smem:$0x3F9D] =	sst s0;
	s0 =	simm.s32 @!p2 $0x0  }
0x16: {  	s3 =	sld [smem:$0x3FDB];
	s0 =	simm.s32 @p2 $0x1  }
0x17: {  	s4 =	simm.s32 $0x1BF5;
	[smem:$0x3F9F] =	sst s0  }
0x18: {  	s0 =	sld [smem:$0x3F82];
	_ =	swait.ge [sflag:s4], $0x0  }
0x19: {  	s7 =	sld [smem:$0x3F83]  }
0x1a: {  	s8 =	sadd.s32 $0xFFFFE003, lr  }
0x1b: {  	s9 =	sadd.s32 $0xFFFFFEF7, lr;
	s5 =	simm.s32 $0xFFFFFFFF;
	p2 =	slt.u32 s8, $0xFFFFF086  }
0x1c: {  	p1 =	slt.u32 s9, $0xF7A;
	s5 =	simm.s32 @!p2 $0x0  }
0x1d: {  	s5 =	simm.s32 @p1 $0x1;
	p0 =	seq.s32 s7, s2  }
0x1e: {  	s7 =	smul.u32 @!p0 $0xF7A, s2;
	p2 =	seq.s32 @!p0 s5, $0x0  }
0x1f: {  	s9 =	smul.u32 $0xF7A, s1;
	s8 =	simm.s32 @!p0 $0x1BF5;
	p2 =	por !p2, p0  }
0x20: {  	[sflag:s8] =	ssyncset.s32 @!p0 $0xFFFFF086;
	s6 =	sadd.s32 @!p0 s3, s7;
	s7 =	simm.s32 @!p0 $0x108  }
0x21: {  	s3 =	sadd.s32 s3, s9;
	s6 =	sadd.s32 @!p0 $0x88, s6;
	s7 =	simm.s32 @p2 $0x1082  }
0x22: {  	[simem:s7], [sflag:s8] =	dma.local @!p0 [hbm:s6], $0xF7A  }
0x23: {  	s9 =	sor.u32 $0xD0000000, s2;
	s6 =	simm.s32 $0x108;
	_ =	swait.ge @!p0 [sflag:s8], $0x0  }
0x24: {  	s3 =	sadd.s32 $0x88, s3;
	s6 =	simm.s32 @!p1 $0x1082;
	[sflag:s4] =	ssyncset.s32 $0xFFFFF086  }
0x25: {  	[simem:s6], [sflag:s4] =	dma.local [hbm:s3], $0xF7A  }
0x26: {  	[smem:$0x3F83] =	sst s1;
	(tag) =	ssettag s2;
	_ =	strace s9  }
0x27: {  	s1 =	sld [smem:$0x3F93]  }
0x28: {  	s2 =	sld [smem:$0x3F94]  }
0x29: {  	s4 =	sld [smem:$0x3F96]  }
0x2a: {  	p0 =	seq.s32 s5, $0x0;
	s5 =	sld [smem:$0x3F97]  }
0x2b: {  	s6 =	sld [smem:$0x3F98]  }
0x2c: {  	s7 =	sld [smem:$0x3F99]  }
0x2d: {  	s3 =	simm.s32 $0x108;
	s8 =	sld [smem:$0x3F9A]  }
0x2e: {  	s3 =	simm.s32 @!p0 $0x1082;
	s9 =	sld [smem:$0x3F9B]  }
0x2f: {  	lr =	sadd.s32 s0, s3;
	s0 =	sld [smem:$0x3F92]  }
0x30: {  	s3 =	sld [smem:$0x3F95]  }
0x31: {  	[smem:$0x3F9E] =	sst s10  }
0x32: {  	s10 =	sld [smem:$0x3F9C];
	_ =	sdelay $0x3  }
0x33: {  	p0 =	seq.s32 s10, $0x1;
	s10 =	sld [smem:$0x3F9E];
	_ =	sdelay $0x3  }
0x34: {  	[smem:$0x3F9E] =	sst s10  }
0x35: {  	s10 =	sld [smem:$0x3F9D];
	_ =	sdelay $0x3  }
0x36: {  	p1 =	seq.s32 s10, $0x1;
	s10 =	sld [smem:$0x3F9E];
	_ =	sdelay $0x3  }
0x37: {  	[smem:$0x3F9E] =	sst s10  }
0x38: {  	s10 =	sld [smem:$0x3F9F]  }
0x39: {  	_ = 	snop;
	(pc) =	sbr.ind lr, $3  }
0x3a: {  	_ = 	snop  }
0x3b: {  	_ = 	snop  }
0x3c: {  	p2 =	seq.s32 s10, $0x1;
	s10 =	sld [smem:$0x3F9E]  }
0x3d: {  	_ =	shalt  }
0x3e: {  	_ =	shalt  }
0x3f: {  	_ =	shalt  }
0x40: {  	_ =	shalt  }
0x41: {  	_ =	shalt  }
0x42: {  	_ =	shalt  }
0x43: {  	_ =	shalt  }
0x44: {  	_ =	shalt  }
0x45: {  	_ =	shalt  }
0x46: {  	_ =	shalt  }
0x47: {  	_ =	shalt  }
0x48: {  	_ =	shalt  }
0x49: {  	_ =	shalt  }
0x4a: {  	_ =	shalt  }
0x4b: {  	_ =	shalt  }
0x4c: {  	_ =	shalt  }
0x4d: {  	_ =	shalt  }
0x4e: {  	_ =	shalt  }
0x4f: {  	_ =	shalt  }
0x50: {  	_ =	shalt  }
0x51: {  	_ =	shalt  }
0x52: {  	_ =	shalt  }
0x53: {  	_ =	shalt  }
0x54: {  	_ =	shalt  }
0x55: {  	_ =	shalt  }
0x56: {  	_ =	shalt  }
0x57: {  	_ =	shalt  }
0x58: {  	_ =	shalt  }
0x59: {  	_ =	shalt  }
0x5a: {  	_ =	shalt  }
0x5b: {  	_ =	shalt  }
0x5c: {  	_ =	shalt  }
0x5d: {  	_ =	shalt  }
0x5e: {  	_ =	shalt  }
0x5f: {  	_ =	shalt  }
0x60: {  	_ =	shalt  }
0x61: {  	_ =	shalt  }
0x62: {  	_ =	shalt  }
0x63: {  	_ =	shalt  }
0x64: {  	_ =	shalt  }
0x65: {  	_ =	shalt  }
0x66: {  	_ =	shalt  }
0x67: {  	_ =	shalt  }
0x68: {  	_ =	shalt  }
0x69: {  	_ =	shalt  }
0x6a: {  	_ =	shalt  }
0x6b: {  	_ =	shalt  }
0x6c: {  	_ =	shalt  }
0x6d: {  	_ =	shalt  }
0x6e: {  	_ =	shalt  }
0x6f: {  	_ =	shalt  }
0x70: {  	_ =	shalt  }
0x71: {  	_ =	shalt  }
0x72: {  	_ =	shalt  }
0x73: {  	_ =	shalt  }
0x74: {  	_ =	shalt  }
0x75: {  	_ =	shalt  }
0x76: {  	_ =	shalt  }
0x77: {  	_ =	shalt  }
0x78: {  	_ =	shalt  }
0x79: {  	_ =	shalt  }
0x7a: {  	_ =	shalt  }
0x7b: {  	_ =	shalt  }
0x7c: {  	_ =	shalt  }
0x7d: {  	_ =	shalt  }
0x7e: {  	_ =	shalt  }
0x7f: {  	_ =	shalt  }
0x80: {  	_ =	shalt  }
0x81: {  	_ =	shalt  }
0x82: {  	_ =	shalt  }
0x83: {  	_ =	shalt  }
0x84: {  	_ =	shalt  }
0x85: {  	_ =	shalt  }
0x86: {  	_ =	shalt  }
0x87: {  	_ =	shalt  }
.Lfunc_end0:
.L_simem_size_0:
called_computation_lowered:
.L_overlay_start_0:
0x88: {  	s2 =	sld [smem:$0x3FD9]  }
0x89: {  	s3 =	sld [smem:$0x3FFE];
	_ =	sdelay $0x1  }
0x8a: {  	s1 =	srdreg.scid  }
0x8b: {  	s0 =	sand.u32 $0x1, s1  }
0x8c: {  	s14 =	sshll.u32 s0, $0xA;
	s2 =	sadd.s32 s3, s2  }
0x8d: {  	s2 =	sadd.s32 s2, s14  }
0x8e: {  	[smem:$0x3FAA] =	sst s2  }
0x8f: {  	_ = 	snop  }
0x90: {  	s2 =	sld [smem:$0x3FD0];
	_ =	sdelay $0x2  }
0x91: {  	s15 =	simm.s32 $0xB;
	s4 =	simm.s32 $0x10  }
0x92: {  	[smem:s4], [sflag:s15] =	dma.local [hbm:s2], $0x1  }
0x93: {  	_ =	swait.eq [sflag:s15], $0x1  }
0x94: {  	[sflag:s15] =	ssyncset.done $0x0  }
0x95: {  	s16 =	sld [smem:$0x10];
	[sflag:s15] =	ssyncadd.s32 $0xFFFFFFFF  }
0x96: {  	s17 =	sld [smem:$0x12];
	(tm) =	ssettm $0x1  }
0x97: {  	s18 =	sld [smem:$0x3FFB];
	_ =	sdelay $0x3  }
0x98: {  	_ =	strace s18  }
0x99: {  	s4 =	sld [smem:$0x3FFC];
	_ =	sdelay $0x3  }
0x9a: {  	_ =	strace s4  }
0x9b: {  	s4 =	sld [smem:$0x3FFD];
	_ =	sdelay $0x3  }
0x9c: {  	_ =	strace s4  }
0x9d: {  	_ =	strace $0x8FFFFFFF  }
0x9e: {  	s19 =	sld [smem:$0x3FDB];
	_ =	sdelay $0x1  }
0x9f: {  	s5 =	simm.s32 $_scs_section_size  }
0xa0: {  	s6 =	simm.s32 $_size__tile_overlayer_lowered;
	s7 =	simm.s32 $_tile_overlayer_lowered  }
0xa1: {  	s22 =	simm.s32 $0x1BFF;
	s21 =	sshll.u32 s7, $0x1;
	s4 =	sadd.s32 s5, s19  }
0xa2: {  	s8 =	simm.s32 $0x0;
	s20 =	sshll.u32 s6, $0x1;
	s6 =	sadd.s32 s21, s4  }
0xa3: {  	[timem:s8], [sflag:s22] =	dma.local [hbm:s6], s20  }
0xa4: {  	_ =	swait.ge [sflag:s22], s20  }
0xa5: {  	s5 =	ssub.s32 $0x0, s20;
	[sflag:s22] =	ssyncset.done $0x0  }
0xa6: {  	[sflag:s22] =	ssyncadd.s32 s5;
	_ =	sdelay $0x1  }
0xa7: {  	s23 =	simm.s32 $0x1B8B  }
0xa8: {  	_ =	swait.ge [sflag:s23], $0x1  }
0xa9: {  	[sflag:s23] =	ssyncset.done $0x0  }
0xaa: {  	s25 =	simm.s32 $0x1B8E;
	s24 =	sld [smem:$0x3FFE];
	[sflag:s23] =	ssyncadd.s32 $0xFFFFFFFF  }
0xab: {  	s26 =	simm.s32 $execute0_lowered;
	[smem:$0x3FD2] =	sst s25  }
0xac: {  	s6 =	sshll.u32 s26, $0x1;
	_ =	strace $0x80000046;
	[dreg:$0x1] =	wrdreg $0xFFFFFFFF  }
0xad: {  	s28 =	simm.s32 $_size_execute0_lowered;
	s4 =	sadd.s32 s4, s6;
	[dreg:$0x0] =	wrdreg $0x0  }
0xae: {  	s6 =	sshll.u32 s28, $0x1;
	[dreg:$0x2] =	wrdreg s4  }
0xaf: {  	[dreg:$0x3] =	wrdreg s6  }
0xb0: {  	[dreg:$0x4] =	wrdreg $0xC0  }
0xb1: {  	_ =	task [dreg:s8], $0x5FFFF  }
0xb2: {  	[dreg:$0x1] =	wrdreg $0xFFFFFFFF  }
0xb3: {  	[dreg:$0x0] =	wrdreg $0x60  }
0xb4: {  	[dreg:$0x2] =	wrdreg s16  }
0xb5: {  	[dreg:$0x3] =	wrdreg s24  }
0xb6: {  	[dreg:$0x4] =	wrdreg s17  }
0xb7: {  	[dreg:$0x5] =	wrdreg $0x9  }
0xb8: {  	_ =	task.clear_ibuf [dreg:s8], $0x6FFFF;
	_ =	strace $0x90000046  }
0xb9: {  	s29 =	simm.s32 $0x9;
	_ =	strace $0x80000048  }
0xba: {  	_ =	swait.ge [sflag:s29], $0x1  }
0xbb: {  	[sflag:s29] =	ssyncadd.s32 $0xFFFFFFFF  }
0xbc: {  	_ =	strace $0x90000048  }
0xbd: {  	_ =	sfence  }
0xbe: {  	s30 =	sld [smem:$0x0];
	_ =	sdelay $0x2  }
0xbf: {  	s31 =	sshll.u32 s1, $0xD;
	s1 =	sshrl.u32 s1, $0x2  }
0xc0: {  	s3 =	sand.u32 $0x4000, s31;
	s1 =	sadd.s32 s1, s30  }
0xc1: {  	s0 =	sor.u32 s3, s0;
	s1 =	sshll.u32 s1, $0x11  }
0xc2: {  	s0 =	sor.u32 s1, s0  }
0xc3: {  	s0 =	sadd.s32 $0x8F2B, s0  }
0xc4: {  	[sflag:s0] =	ssyncadd.remote.s32 $0x1  }
0xc5: {  	_ =	sfence.sel $0xFFFF  }
0xc6: {  	[dreg:$0x0] =	wrdreg $0xFFFFFFFF;
	(pc) =	sbr.abs _section_cstart, $3  }
0xc7: {  	[dreg:$0x1] =	wrdreg $0xFFFFFFFF  }
0xc8: {  	_ =	task.clear_ibuf [dreg:s8], $0x2FFFF;
	_ =	strace $0x9FFFFFFF  }
0xc9: {  	(tm) =	ssettm $0x7FFFFFFF  }
tec
execute0_lowered:
.L_overlay_start_1:
0x0: {  	(tag) =	ssettag $0x1  }
0x1: {  	s1 =	srdreg.scid;
	s0 =	stileid.u32  }
0x2: {  	s2 =	rddreg [dreg:$0x0];
	s9 =	sand.u32 $0x1, s1;
	s30 =	sshll.u32 s0, $0x1  }
0x3: {  	s4 =	rddreg [dreg:$0x1];
	s10 =	sor.u32 s9, s30  }
0x4: {  	s11 =	rddreg [dreg:$0x2];
	s5 =	smul.u32 $0x1A, s10  }
0x5: {  	s3 =	simm.s32 $0x0;
	s1 =	rddreg [dreg:$0x3]  }
0x6: {  	[smem:$0x7FF] =	sst s3;
	s4 =	sadd.s32 s5, s4  }
0x7: {  	_ =	strace $0x80000047;
	s5 =	sadd.s32 $0x24200, s4;
	s4 =	simm.s32 $0x2  }
0x8: {  	[tilespmem:s3], [sflag:$0x2] =	stream.linear.gather [hbm4b:s5+s3], $0xD0, $0x38;
	[tilespmem:$0x1AD0] =	vst v63  }
0x9: {  	_ =	swait.ge [sflag:s4], $0xD0  }
0xa: {  	s6 =	simm.s32 $0x68;
	s7 =	simm.s32 $0xD0;
	[sflag:s4] =	ssyncset.done $0x0  }
0xb: {  	s8 =	simm.s32 $0x1;
	s12 =	ssub.s32 $0x2, s9;
	[sflag:s4] =	ssyncadd.s32 $0xFFFFFF30  }
0xc: {  	[tilespmem:s7], [sflag:$0x1] =	stream.indirect.gather [hbm4b:s2+s6], $0x20, s3, s6, $0xb8;
	[tilespmem:$0x1AD0] =	vst v63  }
0xd: {  	s13 =	sshrl.u32 s12, $0x1;
	_ =	swait.ge [sflag:s8], $0xD00  }
0xe: {  	s12 =	ssub.s32 s12, s13;
	[sflag:s8] =	ssyncset.done $0x0  }
0xf: {  	s9 =	simm.s32 $0xDD0;
	s31 =	smax.u32 s12, $0x1;
	[sflag:s8] =	ssyncadd.s32 $0xFFFFF300  }
0x10: {  	[tilespmem:s9], [sflag:$0x1] =	stream.indirect.gather [hbm4b:s2+s6], $0x20, s6, s6, $0xb8;
	[tilespmem:$0x1AD0] =	vst v63  }
0x11: {  	s10 =	smul.u32 $0x340, s10;
	p0 =	sne.s32 s31, $0x1;
	_ =	swait.ge [sflag:s8], $0xD00  }
.Ltmp0:
0x12: {  	[sflag:s8] =	ssyncset.done $0x0;
	(pc) =	sbr.rel @!p0 .LBB2_2-.Ltmp0, $4  }
0x13: {  	s10 =	sadd.s32 s11, s10;
	[sflag:s8] =	ssyncadd.s32 $0xFFFFF300  }
0x14: {  	[hbm4b:s10+s3] =	stream.linear.scatter [tilespmem:s7], [sflag:$0x2], $0x1A00, $0x38;
	[tilespmem:$0x1AD0] =	vst v63  }
0x15: {  	_ =	swait.ge [sflag:s4], $0x1A00  }
0x16: {  	s11 =	sadd.s32 $0xFFFFFFFF, s31;
	[sflag:s4] =	ssyncset.done $0x0  }
.LBB2_1:
0x17: {  	p0 =	sne.s32 s11, $0x1;
	s11 =	sadd.s32 $0xFFFFFFFF, s11;
	[sflag:s4] =	ssyncadd.s32 $0xFFFFE600  }
0x18: {  	[tilespmem:s3], [sflag:$0x2] =	stream.linear.gather [hbm4b:s5+s3], $0xD0, $0x38;
	[tilespmem:$0x1AD0] =	vst v63  }
0x19: {  	_ =	swait.ge [sflag:s4], $0xD0  }
0x1a: {  	[sflag:s4] =	ssyncset.done $0x0  }
0x1b: {  	[sflag:s4] =	ssyncadd.s32 $0xFFFFFF30  }
0x1c: {  	[tilespmem:s7], [sflag:$0x1] =	stream.indirect.gather [hbm4b:s2+s6], $0x20, s3, s6, $0xb8;
	[tilespmem:$0x1AD0] =	vst v63  }
0x1d: {  	_ =	swait.ge [sflag:s8], $0xD00  }
0x1e: {  	[sflag:s8] =	ssyncset.done $0x0  }
0x1f: {  	[sflag:s8] =	ssyncadd.s32 $0xFFFFF300  }
0x20: {  	[tilespmem:s9], [sflag:$0x1] =	stream.indirect.gather [hbm4b:s2+s6], $0x20, s6, s6, $0xb8;
	[tilespmem:$0x1AD0] =	vst v63  }
0x21: {  	_ =	swait.ge [sflag:s8], $0xD00  }
.Ltmp1:
0x22: {  	[sflag:s8] =	ssyncset.done $0x0;
	(pc) =	sbr.rel @p0 .LBB2_1-.Ltmp1, $4  }
0x23: {  	[sflag:s8] =	ssyncadd.s32 $0xFFFFF300  }
0x24: {  	[hbm4b:s10+s3] =	stream.linear.scatter [tilespmem:s7], [sflag:$0x2], $0x1A00, $0x38;
	[tilespmem:$0x1AD0] =	vst v63  }
0x25: {  	_ =	swait.ge [sflag:s4], $0x1A00  }
0x26: {  	[sflag:s4] =	ssyncset.done $0x0  }
.LBB2_2:
0x27: {  	[sflag:s4] =	ssyncadd.s32 $0xFFFFE600  }
0x28: {  	_ =	sfence.sel $0x180000  }
0x29: {  	[bflag:$0x0] =	sbarrier.arrive $0xFFFF  }
0x2a: {  	p0 =	sne.s32 s0, $0x0;
	_ =	strace $0x90000047  }
0x2b: {  	s0 =	sadd.s32 @!p0 $0x100000, s1;
	[bflag:$0x2] =	sbarrier.arrive $0xFFFF  }
0x2c: {  	[sflag:s0] =	ssyncadd.tile.s32 @!p0 $0x1;
	_ =	shalt  }
.Lfunc_end2:
_tile_overlayer_lowered:
.L_overlay_start_2:
0x2d: {  	(tag) =	ssettag $0x2  }
0x2e: {  	s0 =	rddreg [dreg:$0x0];
	s2 =	stileid.u32  }
0x2f: {  	s1 =	rddreg [dreg:$0x1];
	p0 =	sne.s32 s2, $0x0  }
0x30: {  	s3 =	rddreg [dreg:$0x2];
	[bflag:$0x3] =	sbarrier.arrive $0xFFFF;
	s2 =	simm.s32 @!p0 $0x1C02  }
0x31: {  	[timem:s3], [sflag:s2] =	dma.local @!p0 [hbm:s0], s1  }
0x32: {  	s0 =	simm.s32 @!p0 $0x2  }
0x33: {  	_ =	swait.ge @!p0 [sflag:s0], s1  }
0x34: {  	s1 =	ssub.s32 @!p0 $0x0, s1;
	[sflag:s0] =	ssyncset.done @!p0 $0x0  }
0x35: {  	[sflag:s0] =	ssyncadd.s32 @!p0 s1  }
0x36: {  	[bflag:$0x3] =	sbarrier.arrive $0xFFFF  }
0x37: {  	_ =	shalt  }

// kernel: kernel.8.cloned.1.call-start
scs
__scs_entry_jumppad:
0x0: {  	(pc) =	sbr.rel $0x88, $3  }
0x1: {  	(tag) =	ssettag $0x0;
	lr =	simm.s32 $0x1  }
0x2: {  	[smem:$0x3F83] =	sst lr;
	_ =	strace $0xD0000000  }
0x3: {  	_ = 	snop  }
0x4: {  	_ = 	snop  }
0x5: {  	_ = 	snop  }
0x6: {  	_ = 	snop  }
0x7: {  	_ = 	snop  }
__scs_overlays_trampoline_lowered:
0x8: {  	[smem:$0x3F92] =	sst s0  }
0x9: {  	[smem:$0x3F93] =	sst s1  }
0xa: {  	[smem:$0x3F94] =	sst s2  }
0xb: {  	[smem:$0x3F95] =	sst s3  }
0xc: {  	[smem:$0x3F96] =	sst s4  }
0xd: {  	[smem:$0x3F97] =	sst s5  }
0xe: {  	[smem:$0x3F98] =	sst s6  }
0xf: {  	[smem:$0x3F99] =	sst s7  }
0x10: {  	[smem:$0x3F9A] =	sst s8  }
0x11: {  	[smem:$0x3F9B] =	sst s9;
	s0 =	simm.s32 @!p0 $0x0  }
0x12: {  	s1 =	sld [smem:$0x3F81];
	s0 =	simm.s32 @p0 $0x1  }
0x13: {  	[smem:$0x3F9C] =	sst s0;
	s0 =	simm.s32 @!p1 $0x0  }
0x14: {  	s2 =	sld [smem:$0x3F80];
	s0 =	simm.s32 @p1 $0x1  }
0x15: {  	[smem:$0x3F9D] =	sst s0;
	s0 =	simm.s32 @!p2 $0x0  }
0x16: {  	s3 =	sld [smem:$0x3FDB];
	s0 =	simm.s32 @p2 $0x1  }
0x17: {  	s4 =	simm.s32 $0x1BF5;
	[smem:$0x3F9F] =	sst s0  }
0x18: {  	s0 =	sld [smem:$0x3F82];
	_ =	swait.ge [sflag:s4], $0x0  }
0x19: {  	s7 =	sld [smem:$0x3F83]  }
0x1a: {  	s8 =	sadd.s32 $0xFFFFE003, lr  }
0x1b: {  	s9 =	sadd.s32 $0xFFFFFEF7, lr;
	s5 =	simm.s32 $0xFFFFFFFF;
	p2 =	slt.u32 s8, $0xFFFFF086  }
0x1c: {  	p1 =	slt.u32 s9, $0xF7A;
	s5 =	simm.s32 @!p2 $0x0  }
0x1d: {  	s5 =	simm.s32 @p1 $0x1;
	p0 =	seq.s32 s7, s2  }
0x1e: {  	s7 =	smul.u32 @!p0 $0xF7A, s2;
	p2 =	seq.s32 @!p0 s5, $0x0  }
0x1f: {  	s9 =	smul.u32 $0xF7A, s1;
	s8 =	simm.s32 @!p0 $0x1BF5;
	p2 =	por !p2, p0  }
0x20: {  	[sflag:s8] =	ssyncset.s32 @!p0 $0xFFFFF086;
	s6 =	sadd.s32 @!p0 s3, s7;
	s7 =	simm.s32 @!p0 $0x108  }
0x21: {  	s3 =	sadd.s32 s3, s9;
	s6 =	sadd.s32 @!p0 $0x88, s6;
	s7 =	simm.s32 @p2 $0x1082  }
0x22: {  	[simem:s7], [sflag:s8] =	dma.local @!p0 [hbm:s6], $0xF7A  }
0x23: {  	s9 =	sor.u32 $0xD0000000, s2;
	s6 =	simm.s32 $0x108;
	_ =	swait.ge @!p0 [sflag:s8], $0x0  }
0x24: {  	s3 =	sadd.s32 $0x88, s3;
	s6 =	simm.s32 @!p1 $0x1082;
	[sflag:s4] =	ssyncset.s32 $0xFFFFF086  }
0x25: {  	[simem:s6], [sflag:s4] =	dma.local [hbm:s3], $0xF7A  }
0x26: {  	[smem:$0x3F83] =	sst s1;
	(tag) =	ssettag s2;
	_ =	strace s9  }
0x27: {  	s1 =	sld [smem:$0x3F93]  }
0x28: {  	s2 =	sld [smem:$0x3F94]  }
0x29: {  	s4 =	sld [smem:$0x3F96]  }
0x2a: {  	p0 =	seq.s32 s5, $0x0;
	s5 =	sld [smem:$0x3F97]  }
0x2b: {  	s6 =	sld [smem:$0x3F98]  }
0x2c: {  	s7 =	sld [smem:$0x3F99]  }
0x2d: {  	s3 =	simm.s32 $0x108;
	s8 =	sld [smem:$0x3F9A]  }
0x2e: {  	s3 =	simm.s32 @!p0 $0x1082;
	s9 =	sld [smem:$0x3F9B]  }
0x2f: {  	lr =	sadd.s32 s0, s3;
	s0 =	sld [smem:$0x3F92]  }
0x30: {  	s3 =	sld [smem:$0x3F95]  }
0x31: {  	[smem:$0x3F9E] =	sst s10  }
0x32: {  	s10 =	sld [smem:$0x3F9C];
	_ =	sdelay $0x3  }
0x33: {  	p0 =	seq.s32 s10, $0x1;
	s10 =	sld [smem:$0x3F9E];
	_ =	sdelay $0x3  }
0x34: {  	[smem:$0x3F9E] =	sst s10  }
0x35: {  	s10 =	sld [smem:$0x3F9D];
	_ =	sdelay $0x3  }
0x36: {  	p1 =	seq.s32 s10, $0x1;
	s10 =	sld [smem:$0x3F9E];
	_ =	sdelay $0x3  }
0x37: {  	[smem:$0x3F9E] =	sst s10  }
0x38: {  	s10 =	sld [smem:$0x3F9F]  }
0x39: {  	_ = 	snop;
	(pc) =	sbr.ind lr, $3  }
0x3a: {  	_ = 	snop  }
0x3b: {  	_ = 	snop  }
0x3c: {  	p2 =	seq.s32 s10, $0x1;
	s10 =	sld [smem:$0x3F9E]  }
0x3d: {  	_ =	shalt  }
0x3e: {  	_ =	shalt  }
0x3f: {  	_ =	shalt  }
0x40: {  	_ =	shalt  }
0x41: {  	_ =	shalt  }
0x42: {  	_ =	shalt  }
0x43: {  	_ =	shalt  }
0x44: {  	_ =	shalt  }
0x45: {  	_ =	shalt  }
0x46: {  	_ =	shalt  }
0x47: {  	_ =	shalt  }
0x48: {  	_ =	shalt  }
0x49: {  	_ =	shalt  }
0x4a: {  	_ =	shalt  }
0x4b: {  	_ =	shalt  }
0x4c: {  	_ =	shalt  }
0x4d: {  	_ =	shalt  }
0x4e: {  	_ =	shalt  }
0x4f: {  	_ =	shalt  }
0x50: {  	_ =	shalt  }
0x51: {  	_ =	shalt  }
0x52: {  	_ =	shalt  }
0x53: {  	_ =	shalt  }
0x54: {  	_ =	shalt  }
0x55: {  	_ =	shalt  }
0x56: {  	_ =	shalt  }
0x57: {  	_ =	shalt  }
0x58: {  	_ =	shalt  }
0x59: {  	_ =	shalt  }
0x5a: {  	_ =	shalt  }
0x5b: {  	_ =	shalt  }
0x5c: {  	_ =	shalt  }
0x5d: {  	_ =	shalt  }
0x5e: {  	_ =	shalt  }
0x5f: {  	_ =	shalt  }
0x60: {  	_ =	shalt  }
0x61: {  	_ =	shalt  }
0x62: {  	_ =	shalt  }
0x63: {  	_ =	shalt  }
0x64: {  	_ =	shalt  }
0x65: {  	_ =	shalt  }
0x66: {  	_ =	shalt  }
0x67: {  	_ =	shalt  }
0x68: {  	_ =	shalt  }
0x69: {  	_ =	shalt  }
0x6a: {  	_ =	shalt  }
0x6b: {  	_ =	shalt  }
0x6c: {  	_ =	shalt  }
0x6d: {  	_ =	shalt  }
0x6e: {  	_ =	shalt  }
0x6f: {  	_ =	shalt  }
0x70: {  	_ =	shalt  }
0x71: {  	_ =	shalt  }
0x72: {  	_ =	shalt  }
0x73: {  	_ =	shalt  }
0x74: {  	_ =	shalt  }
0x75: {  	_ =	shalt  }
0x76: {  	_ =	shalt  }
0x77: {  	_ =	shalt  }
0x78: {  	_ =	shalt  }
0x79: {  	_ =	shalt  }
0x7a: {  	_ =	shalt  }
0x7b: {  	_ =	shalt  }
0x7c: {  	_ =	shalt  }
0x7d: {  	_ =	shalt  }
0x7e: {  	_ =	shalt  }
0x7f: {  	_ =	shalt  }
0x80: {  	_ =	shalt  }
0x81: {  	_ =	shalt  }
0x82: {  	_ =	shalt  }
0x83: {  	_ =	shalt  }
0x84: {  	_ =	shalt  }
0x85: {  	_ =	shalt  }
0x86: {  	_ =	shalt  }
0x87: {  	_ =	shalt  }
.Lfunc_end0:
.L_simem_size_0:
called_computation.1_lowered:
.L_overlay_start_0:
0x88: {  	s2 =	sld [smem:$0x3FD9]  }
0x89: {  	s3 =	sld [smem:$0x3FFE];
	_ =	sdelay $0x1  }
0x8a: {  	s1 =	srdreg.scid  }
0x8b: {  	s0 =	sand.u32 $0x1, s1  }
0x8c: {  	s15 =	sshll.u32 s0, $0xA;
	s2 =	sadd.s32 s3, s2  }
0x8d: {  	s2 =	sadd.s32 s2, s15  }
0x8e: {  	[smem:$0x3FAA] =	sst s2  }
0x8f: {  	_ = 	snop  }
0x90: {  	s2 =	sld [smem:$0x3FD0];
	_ =	sdelay $0x2  }
0x91: {  	s16 =	simm.s32 $0xB;
	s4 =	simm.s32 $0x10  }
0x92: {  	[smem:s4], [sflag:s16] =	dma.local [hbm:s2], $0x1  }
0x93: {  	_ =	swait.eq [sflag:s16], $0x1  }
0x94: {  	[sflag:s16] =	ssyncset.done $0x0  }
0x95: {  	[sflag:s16] =	ssyncadd.s32 $0xFFFFFFFF  }
0x96: {  	s17 =	sld [smem:$0x13];
	(tm) =	ssettm $0x1  }
0x97: {  	s18 =	sld [smem:$0x3FFB];
	_ =	sdelay $0x3  }
0x98: {  	_ =	strace s18  }
0x99: {  	s2 =	sld [smem:$0x3FFC];
	_ =	sdelay $0x3  }
0x9a: {  	_ =	strace s2  }
0x9b: {  	s2 =	sld [smem:$0x3FFD];
	_ =	sdelay $0x3  }
0x9c: {  	_ =	strace s2  }
0x9d: {  	_ =	strace $0x8FFFFFFF  }
0x9e: {  	s19 =	sld [smem:$0x3FDB];
	_ =	sdelay $0x1  }
0x9f: {  	s20 =	simm.s32 $_scs_section_size  }
0xa0: {  	s5 =	simm.s32 $_size__tile_overlayer_lowered;
	s6 =	simm.s32 $_tile_overlayer_lowered  }
0xa1: {  	s7 =	simm.s32 $0x1BFF;
	s21 =	sshll.u32 s6, $0x1;
	s4 =	sadd.s32 s20, s19  }
0xa2: {  	s22 =	simm.s32 $0x0;
	s5 =	sshll.u32 s5, $0x1;
	s6 =	sadd.s32 s21, s4  }
0xa3: {  	[timem:s22], [sflag:s7] =	dma.local [hbm:s6], s5  }
0xa4: {  	_ =	swait.ge [sflag:s7], s5  }
0xa5: {  	s5 =	ssub.s32 $0x0, s5;
	[sflag:s7] =	ssyncset.done $0x0  }
0xa6: {  	[sflag:s7] =	ssyncadd.s32 s5;
	_ =	sdelay $0x1  }
0xa7: {  	s23 =	simm.s32 $0x1B8B  }
0xa8: {  	_ =	swait.ge [sflag:s23], $0x1  }
0xa9: {  	[sflag:s23] =	ssyncset.done $0x0  }
0xaa: {  	[sflag:s23] =	ssyncadd.s32 $0xFFFFFFFF  }
0xab: {  	s5 =	sld [smem:$0x0]  }
0xac: {  	s6 =	sand.u32 $0xFFFFFFFE, s1  }
0xad: {  	p0 =	sne.s32 s1, s6  }
0xae: {  	s6 =	sshll.u32 @p0 s6, $0xE  }
0xaf: {  	s6 =	sadd.s32 @p0 $0x11B8D, s6;
	s7 =	sshll.u32 @p0 s5, $0x11  }
0xb0: {  	s6 =	sor.u32 @p0 s7, s6  }
0xb1: {  	[sflag:s6] =	ssyncadd.remote.s32 @p0 $0x1;
	_ =	sdelay $0x1  }
0xb2: {  	s6 =	simm.s32 @p0 $0x1B8D  }
0xb3: {  	_ =	swait.eq @p0 [sflag:s6], $0x1  }
0xb4: {  	[sflag:s6] =	ssyncadd.s32 @p0 $0xFFFFFFFF  }
0xb5: {  	s7 =	sshll.u32 @!p0 s1, $0xE  }
0xb6: {  	s7 =	sor.u32 @!p0 $0x4000, s7;
	s6 =	simm.s32 @!p0 $0x1B8D  }
0xb7: {  	s5 =	sshll.u32 @!p0 s5, $0x11;
	s7 =	sadd.s32 @!p0 $0x11B8D, s7;
	_ =	swait.eq @!p0 [sflag:s6], $0x1  }
0xb8: {  	s5 =	sor.u32 @!p0 s5, s7;
	[sflag:s6] =	ssyncadd.s32 @!p0 $0xFFFFFFFF  }
0xb9: {  	s25 =	simm.s32 $0x1B8E;
	s24 =	sld [smem:$0x3FFE];
	[sflag:s5] =	ssyncadd.remote.s32 @!p0 $0x1  }
0xba: {  	s26 =	simm.s32 $execute0_lowered;
	[smem:$0x3FD2] =	sst s25  }
0xbb: {  	s6 =	sshll.u32 s26, $0x1;
	_ =	strace $0x80000049;
	[dreg:$0x1] =	wrdreg $0xFFFFFFFF  }
0xbc: {  	s28 =	simm.s32 $_size_execute0_lowered;
	s4 =	sadd.s32 s4, s6;
	[dreg:$0x0] =	wrdreg $0x0  }
0xbd: {  	s6 =	sshll.u32 s28, $0x1;
	[dreg:$0x2] =	wrdreg s4  }
0xbe: {  	[dreg:$0x3] =	wrdreg s6  }
0xbf: {  	[dreg:$0x4] =	wrdreg $0xC0  }
0xc0: {  	_ =	task [dreg:s22], $0x5FFFF  }
0xc1: {  	[dreg:$0x1] =	wrdreg $0xFFFFFFFF  }
0xc2: {  	[dreg:$0x0] =	wrdreg $0x60  }
0xc3: {  	[dreg:$0x2] =	wrdreg s17  }
0xc4: {  	[dreg:$0x3] =	wrdreg s24  }
0xc5: {  	[dreg:$0x4] =	wrdreg $0x4100  }
0xc6: {  	[dreg:$0x5] =	wrdreg $0xA  }
0xc7: {  	_ =	task.clear_ibuf [dreg:s22], $0x6FFFF;
	_ =	strace $0x90000049  }
0xc8: {  	s29 =	simm.s32 $0xA;
	_ =	strace $0x8000004B  }
0xc9: {  	_ =	swait.ge [sflag:s29], $0x1  }
0xca: {  	[sflag:s29] =	ssyncadd.s32 $0xFFFFFFFF  }
0xcb: {  	_ =	strace $0x9000004B  }
0xcc: {  	_ =	sfence  }
0xcd: {  	s30 =	sld [smem:$0x0];
	_ =	sdelay $0x2  }
0xce: {  	s31 =	sshll.u32 s1, $0xD;
	s1 =	sshrl.u32 s1, $0x2  }
0xcf: {  	s4 =	sand.u32 $0x4000, s31;
	s1 =	sadd.s32 s1, s30  }
0xd0: {  	s0 =	sor.u32 s4, s0;
	s1 =	sshll.u32 s1, $0x11  }
0xd1: {  	s0 =	sor.u32 s1, s0  }
0xd2: {  	s0 =	sadd.s32 $0x8F2B, s0  }
0xd3: {  	[sflag:s0] =	ssyncadd.remote.s32 $0x1  }
0xd4: {  	_ =	sfence.sel $0xFFFF  }
0xd5: {  	[dreg:$0x0] =	wrdreg $0xFFFFFFFF;
	(pc) =	sbr.abs _section_cstart, $3  }
0xd6: {  	[dreg:$0x1] =	wrdreg $0xFFFFFFFF  }
0xd7: {  	_ =	task.clear_ibuf [dreg:s22], $0x2FFFF;
	_ =	strace $0x9FFFFFFF  }
0xd8: {  	(tm) =	ssettm $0x7FFFFFFF  }
0xd9: {  	_ =	shalt  }
tec
execute0_lowered:
.L_overlay_start_1:
0x0: {  	(tag) =	ssettag $0x1  }
0x1: {  	s8 =	rddreg [dreg:$0x0]  }
0x2: {  	s12 =	rddreg [dreg:$0x1]  }
0x3: {  	s0 =	stileid.u32;
	s2 =	rddreg [dreg:$0x2]  }
0x4: {  	s1 =	rddreg [dreg:$0x3];
	s3 =	simm.s32 $0x0;
	s5 =	srdreg.scid  }
0x5: {  	s13 =	smul.u32 $0x1080, s0;
	[smem:$0x7FF] =	sst s3  }
0x6: {  	s14 =	sand.u32 $0x1, s5;
	s29 =	sshll.u32 s0, $0x6;
	s7 =	sshll.u32 s0, $0x1  }
0x7: {  	_ =	strace $0x8000004A;
	s5 =	sor.u32 $0x1C01, s29;
	s4 =	sshrl.u32 s13, $0x3  }
0x8: {  	s9 =	sor.u32 s14, s7;
	s6 =	sadd.s32 s13, s2;
	s4 =	sadd.s32 s4, s12  }
0x9: {  	s7 =	sshrl.u32 s6, $0x3;
	s6 =	simm.s32 $0x1;
	s4 =	sadd.s32 $0x4200, s4  }
0xa: {  	[spmem:s7], [sflag:s5] =	dma.local [hbm:s4], $0x210  }
0xb: {  	s9 =	smul.u32 $0x1A, s9;
	_ =	swait.ge [sflag:s6], $0x210  }
0xc: {  	[sflag:s6] =	ssyncset.done $0x0  }
0xd: {  	s8 =	sadd.s32 s8, s9;
	[sflag:s6] =	ssyncadd.s32 $0xFFFFFDF0  }
0xe: {  	[tilespmem:s3], [sflag:$0x1] =	stream.linear.gather [hbm4b:s8+s3], $0xD0, $0x38;
	[tilespmem:$0x1490] =	vst v63  }
0xf: {  	_ =	swait.ge [sflag:s6], $0xD0  }
0x10: {  	[sflag:s6] =	ssyncset.done $0x0  }
0x11: {  	s10 =	simm.s32 $0xD0;
	s9 =	sadd.s32 $0x6400, s12;
	[sflag:s6] =	ssyncadd.s32 $0xFFFFFF30  }
0x12: {  	[tilespmem:s10], [sflag:$0x1] =	stream.linear.gather [hbm4b:s9+s3], $0x340, $0x38;
	[tilespmem:$0x1490] =	vst v63  }
0x13: {  	_ =	swait.ge [sflag:s6], $0x340  }
0x14: {  	[sflag:s6] =	ssyncset.done $0x0  }
0x15: {  	[sflag:s6] =	ssyncadd.s32 $0xFFFFFCC0  }
0x16: {  	s11 =	simm.s32 $0x68;
	s15 =	smul.u32 $0x10800, s14;
	[bflag:$0x0] =	sbarrier.arrive $0xFFFF  }
0x17: {  	[spmem:s2] =	stream.indirect.scatter.add.f32 [tilespmem:s10], [sflag:$0x1], $0x8, s3, s11, $0xb8;
	[tilespmem:$0x1490] =	vst v63  }
0x18: {  	s14 =	ssub.s32 $0x2, s14;
	_ =	swait.ge [sflag:s6], $0x340  }
0x19: {  	s30 =	sshrl.u32 s14, $0x1;
	s13 =	sadd.s32 s13, s15;
	[sflag:s6] =	ssyncset.done $0x0  }
0x1a: {  	s31 =	ssub.s32 s14, s30;
	s13 =	sshrl.u32 s13, $0x3;
	[sflag:s6] =	ssyncadd.s32 $0xFFFFFCC0  }
0x1b: {  	[spmem:s2] =	stream.indirect.scatter.add.f32 [tilespmem:s10], [sflag:$0x1], $0x8, s11, s11, $0xb8;
	[tilespmem:$0x1490] =	vst v63  }
0x1c: {  	s12 =	sadd.s32 s13, s12;
	s13 =	smax.u32 s31, $0x1;
	_ =	swait.ge [sflag:s6], $0x340  }
0x1d: {  	p0 =	sne.s32 s13, $0x1;
	[sflag:s6] =	ssyncset.done $0x0  }
.Ltmp0:
0x1e: {  	[sflag:s6] =	ssyncadd.s32 $0xFFFFFCC0;
	(pc) =	sbr.rel @!p0 .LBB2_2-.Ltmp0, $4  }
0x1f: {  	s12 =	sadd.s32 $0x6600, s12;
	[bflag:$0x0] =	sbarrier.arrive $0xFFFF  }
0x20: {  	[hbm:s12], [sflag:s5] =	dma.local [spmem:s7], $0x210  }
0x21: {  	_ =	swait.ge [sflag:s6], $0x210  }
0x22: {  	s13 =	sadd.s32 $0xFFFFFFFF, s13;
	[sflag:s6] =	ssyncset.done $0x0  }
.LBB2_1:
0x23: {  	p0 =	sne.s32 s13, $0x1;
	s13 =	sadd.s32 $0xFFFFFFFF, s13;
	[sflag:s6] =	ssyncadd.s32 $0xFFFFFDF0  }
0x24: {  	[spmem:s7], [sflag:s5] =	dma.local [hbm:s4], $0x210  }
0x25: {  	_ =	swait.ge [sflag:s6], $0x210  }
0x26: {  	[sflag:s6] =	ssyncset.done $0x0  }
0x27: {  	[sflag:s6] =	ssyncadd.s32 $0xFFFFFDF0  }
0x28: {  	[tilespmem:s3], [sflag:$0x1] =	stream.linear.gather [hbm4b:s8+s3], $0xD0, $0x38;
	[tilespmem:$0x1490] =	vst v63  }
0x29: {  	_ =	swait.ge [sflag:s6], $0xD0  }
0x2a: {  	[sflag:s6] =	ssyncset.done $0x0  }
0x2b: {  	[sflag:s6] =	ssyncadd.s32 $0xFFFFFF30  }
0x2c: {  	[tilespmem:s10], [sflag:$0x1] =	stream.linear.gather [hbm4b:s9+s3], $0x340, $0x38;
	[tilespmem:$0x1490] =	vst v63  }
0x2d: {  	_ =	swait.ge [sflag:s6], $0x340  }
0x2e: {  	[sflag:s6] =	ssyncset.done $0x0  }
0x2f: {  	[sflag:s6] =	ssyncadd.s32 $0xFFFFFCC0  }
0x30: {  	[bflag:$0x0] =	sbarrier.arrive $0xFFFF  }
0x31: {  	[spmem:s2] =	stream.indirect.scatter.add.f32 [tilespmem:s10], [sflag:$0x1], $0x8, s3, s11, $0xb8;
	[tilespmem:$0x1490] =	vst v63  }
0x32: {  	_ =	swait.ge [sflag:s6], $0x340  }
0x33: {  	[sflag:s6] =	ssyncset.done $0x0  }
0x34: {  	[sflag:s6] =	ssyncadd.s32 $0xFFFFFCC0  }
0x35: {  	[spmem:s2] =	stream.indirect.scatter.add.f32 [tilespmem:s10], [sflag:$0x1], $0x8, s11, s11, $0xb8;
	[tilespmem:$0x1490] =	vst v63  }
0x36: {  	_ =	swait.ge [sflag:s6], $0x340  }
0x37: {  	[sflag:s6] =	ssyncset.done $0x0  }
.Ltmp1:
0x38: {  	[sflag:s6] =	ssyncadd.s32 $0xFFFFFCC0;
	(pc) =	sbr.rel @p0 .LBB2_1-.Ltmp1, $4  }
0x39: {  	[bflag:$0x0] =	sbarrier.arrive $0xFFFF  }
0x3a: {  	[hbm:s12], [sflag:s5] =	dma.local [spmem:s7], $0x210  }
0x3b: {  	_ =	swait.ge [sflag:s6], $0x210  }
0x3c: {  	[sflag:s6] =	ssyncset.done $0x0  }
.LBB2_2:
0x3d: {  	[sflag:s6] =	ssyncadd.s32 $0xFFFFFDF0  }
0x3e: {  	_ =	sfence.sel $0x180000  }
0x3f: {  	[bflag:$0x0] =	sbarrier.arrive $0xFFFF  }
0x40: {  	p0 =	sne.s32 s0, $0x0;
	_ =	strace $0x9000004A  }
0x41: {  	s0 =	sadd.s32 @!p0 $0x100000, s1;
	[bflag:$0x2] =	sbarrier.arrive $0xFFFF  }
0x42: {  	[sflag:s0] =	ssyncadd.tile.s32 @!p0 $0x1;
	_ =	shalt  }
.Lfunc_end2:
_tile_overlayer_lowered:
.L_overlay_start_2:
0x43: {  	(tag) =	ssettag $0x2  }
0x44: {  	s0 =	rddreg [dreg:$0x0];
	s2 =	stileid.u32  }
0x45: {  	s1 =	rddreg [dreg:$0x1];
	p0 =	sne.s32 s2, $0x0  }
0x46: {  	s3 =	rddreg [dreg:$0x2];
	[bflag:$0x3] =	sbarrier.arrive $0xFFFF;
	s2 =	simm.s32 @!p0 $0x1C01  }
0x47: {  	[timem:s3], [sflag:s2] =	dma.local @!p0 [hbm:s0], s1  }
0x48: {  	s0 =	simm.s32 @!p0 $0x1  }
0x49: {  	_ =	swait.ge @!p0 [sflag:s0], s1  }
0x4a: {  	s1 =	ssub.s32 @!p0 $0x0, s1;
	[sflag:s0] =	ssyncset.done @!p0 $0x0  }
0x4b: {  	[sflag:s0] =	ssyncadd.s32 @!p0 s1  }
0x4c: {  	[bflag:$0x3] =	sbarrier.arrive $0xFFFF  }
0x4d: {  	_ =	shalt  }

</sc_bundles>
